<compile_context>
chip_gen: v7x
topology: tpu7x:2x2x1
jax: 0.10.2.dev20260603
libtpu: 0.0.44.dev20260713+nightly
codegen_flags: <defaults>
</compile_context>

<pallas_src>
import functools

import jax
import jax.numpy as jnp
from jax import lax
from jax.experimental import pallas as pl
from jax.experimental.pallas import tpu as pltpu
from jax.experimental.pallas import tpu_sc as plsc

_NUM_CORES = 2
_NUM_SUBCORES = 16
_NUM_WORKERS = _NUM_CORES * _NUM_SUBCORES
_NBUF = 8
_PD = 2


def _make_sc_lookup(B, L, V, D):
  mesh = plsc.VectorSubcoreMesh(core_axis_name="c", subcore_axis_name="s")
  b_per_w = B // _NUM_WORKERS
  ch0 = ((L // 2) + 7) // 8 * 8
  ch1 = L - ch0
  assert 0 < ch1 <= 128 and ch0 <= 128 and ch0 % 8 == 0
  n_chunks = 2 * b_per_w
  assert n_chunks % _NBUF == 0 and _PD % 2 == 0 and _PD < _NBUF
  chunk_sz = (ch0, ch1)
  chunk_off = (0, ch0)

  @functools.partial(
      pl.kernel,
      out_type=jax.ShapeDtypeStruct((B, L, D), jnp.float32),
      mesh=mesh,
      scratch_types=[
          pltpu.VMEM_SHARED((L, D), jnp.float32),
          pltpu.VMEM((b_per_w * L,), jnp.int32),
      ] + [pltpu.VMEM((ch0, D), jnp.float32) for _ in range(_NBUF)]
        + [pltpu.SemaphoreType.DMA for _ in range(2 * _NBUF)],
  )
  def lookup(x_hbm, pe_hbm, emb_hbm, out_hbm, pe_sh, idx_v, *bufs_sems):
    rows = bufs_sems[:_NBUF]
    gsem = bufs_sems[_NBUF:2 * _NBUF]
    ssem = bufs_sems[2 * _NBUF:]
    wid = lax.axis_index("s") * _NUM_CORES + lax.axis_index("c")
    base = wid * b_per_w
    pltpu.sync_copy(x_hbm.at[pl.ds(base * L, b_per_w * L)], idx_v)

    @pl.when(lax.axis_index("s") == 0)
    def _():
      pltpu.sync_copy(pe_hbm, pe_sh)
    plsc.subcore_barrier()

    def gather_start(nb, p):
      sz = chunk_sz[p & 1]
      pltpu.sync_copy(pe_sh.at[pl.ds(chunk_off[p & 1], sz)],
                      rows[p].at[pl.ds(0, sz)])
      pltpu.async_copy(
          emb_hbm.at[idx_v.at[pl.ds(nb * L + chunk_off[p & 1], sz)]],
          rows[p].at[pl.ds(0, sz)], gsem[p], add=True)

    def gather_drain(p):
      sz = chunk_sz[p & 1]
      pltpu.make_async_copy(
          emb_hbm.at[pl.ds(0, sz)], rows[p].at[pl.ds(0, sz)], gsem[p]).wait()

    def store_start(nb, p):
      sz = chunk_sz[p & 1]
      pltpu.async_copy(
          rows[p].at[pl.ds(0, sz)],
          out_hbm.at[base + nb, pl.ds(chunk_off[p & 1], sz)], ssem[p])

    def store_drain(p):
      sz = chunk_sz[p & 1]
      pltpu.make_async_copy(
          emb_hbm.at[pl.ds(0, sz)], rows[p].at[pl.ds(0, sz)], ssem[p]).wait()

    for c in range(_PD):
      gather_start(c // 2, c)

    @pl.loop(0, n_chunks, step=_NBUF)
    def _(c0):
      for j in range(_NBUF):
        c = c0 + j
        nb = c0 // 2 + (j // 2)
        gather_drain(j)
        store_start(nb, j)
        q = (j + _PD) % _NBUF
        nb_pre = c0 // 2 + (j + _PD) // 2

        @pl.when(c >= _NBUF - _PD)
        def _():
          store_drain(q)

        @pl.when(c + _PD < n_chunks)
        def _():
          gather_start(nb_pre, q)

    for p in range(_PD, _NBUF):
      store_drain(p)

  return lookup


def kernel(x, offset, emb, pe):
  B, L = x.shape
  V, D = emb.shape
  pe_s = lax.dynamic_slice_in_dim(pe, offset, L, axis=0)
  return _make_sc_lookup(B, L, V, D)(x.reshape(-1), pe_s, emb)

# --- scband reference (transcript-rebuilt; emitter-appended) ---
"""Pipeline reference for scband-pre-49417893708168 (READ-ONLY COPY).

The authoritative reference and input builder live on the scoring server;
editing this copy changes nothing except your own understanding.
"""

import jax, jax.numpy as jnp
import numpy as np

N_VOCAB = 1000000
D_MODEL = 128
MAX_SEQ_LEN = 2048
BATCH = 1024
SEQ = 200

def _make_pe():
    i = jnp.arange(0, MAX_SEQ_LEN, dtype=jnp.float32)[:, None]
    j = jnp.arange(0, D_MODEL)[None, :]
    angle = i / jnp.power(10000.0, ((j // 2) * 2).astype(jnp.float32) / D_MODEL)
    pe = jnp.where(j % 2 == 0, jnp.sin(angle), jnp.cos(angle))
    return pe.astype(jnp.float32)

def setup_inputs(seed: int = 0) -> dict:
    key = jax.random.key(seed)
    k1, k2 = jax.random.split(key)
    x = jax.random.randint(k1, (BATCH, SEQ), 0, N_VOCAB, dtype=jnp.int32)
    offset = 0
    emb = jax.random.normal(k2, (N_VOCAB, D_MODEL), dtype=jnp.float32)
    pe = _make_pe()
    return {"x": x, "offset": offset, "emb": emb, "pe": pe}

def reference(x, offset, emb, pe):
    # x: int[B, L] token ids; offset: python int; emb: [N, D]; pe: [MAX_LEN, D]
    h = jnp.take(emb, x, axis=0)  # gather: [B, L, D]
    seq_len = x.shape[-1]
    h = h + jax.lax.dynamic_slice_in_dim(pe, offset, seq_len, axis=0)
    return h

if __name__ == "__main__":
    import jax
    _d = setup_inputs()
    print(jax.jit(kernel)(*tuple(_d.values())))

</pallas_src>

<mosaic_0001>
#map = affine_map<(d0, d1) -> (0)>
#map1 = affine_map<(d0, d1) -> (0, 0)>
#map2 = affine_map<(d0, d1) -> (0, 0, 0)>
module attributes {stable_mosaic.version = 14 : i64} {
  func.func @lookup(%arg0: i32, %arg1: i32, %arg2: memref<204800xi32, #tpu.memory_space<hbm>>, %arg3: memref<200x128xf32, #tpu.memory_space<hbm>>, %arg4: memref<1000000x128xf32, #tpu.memory_space<hbm>>, %arg5: memref<1024x200x128xf32, #tpu.memory_space<hbm>>, %arg6: memref<200x128xf32, #tpu.memory_space<vmem_shared>>, %arg7: memref<6400xi32, #tpu.memory_space<vmem>>, %arg8: memref<104x128xf32, #tpu.memory_space<vmem>>, %arg9: memref<104x128xf32, #tpu.memory_space<vmem>>, %arg10: memref<104x128xf32, #tpu.memory_space<vmem>>, %arg11: memref<104x128xf32, #tpu.memory_space<vmem>>, %arg12: memref<104x128xf32, #tpu.memory_space<vmem>>, %arg13: memref<104x128xf32, #tpu.memory_space<vmem>>, %arg14: memref<104x128xf32, #tpu.memory_space<vmem>>, %arg15: memref<104x128xf32, #tpu.memory_space<vmem>>, %arg16: memref<!tpu.dma_semaphore, #tpu.memory_space<semaphore_mem>>, %arg17: memref<!tpu.dma_semaphore, #tpu.memory_space<semaphore_mem>>, %arg18: memref<!tpu.dma_semaphore, #tpu.memory_space<semaphore_mem>>, %arg19: memref<!tpu.dma_semaphore, #tpu.memory_space<semaphore_mem>>, %arg20: memref<!tpu.dma_semaphore, #tpu.memory_space<semaphore_mem>>, %arg21: memref<!tpu.dma_semaphore, #tpu.memory_space<semaphore_mem>>, %arg22: memref<!tpu.dma_semaphore, #tpu.memory_space<semaphore_mem>>, %arg23: memref<!tpu.dma_semaphore, #tpu.memory_space<semaphore_mem>>, %arg24: memref<!tpu.dma_semaphore, #tpu.memory_space<semaphore_mem>>, %arg25: memref<!tpu.dma_semaphore, #tpu.memory_space<semaphore_mem>>, %arg26: memref<!tpu.dma_semaphore, #tpu.memory_space<semaphore_mem>>, %arg27: memref<!tpu.dma_semaphore, #tpu.memory_space<semaphore_mem>>, %arg28: memref<!tpu.dma_semaphore, #tpu.memory_space<semaphore_mem>>, %arg29: memref<!tpu.dma_semaphore, #tpu.memory_space<semaphore_mem>>, %arg30: memref<!tpu.dma_semaphore, #tpu.memory_space<semaphore_mem>>, %arg31: memref<!tpu.dma_semaphore, #tpu.memory_space<semaphore_mem>>) attributes {dimension_semantics = [#tpu.dimension_semantics<core_parallel>, #tpu.dimension_semantics<subcore_parallel>], iteration_bounds = array<i64: 2, 16>, scalar_prefetch = 0 : i64, scratch_operands = 26 : i64, tpu.core_type = #tpu.core_type<sc_vector_subcore>, window_params = [{transform_indices = #map}, {transform_indices = #map1}, {transform_indices = #map1}, {transform_indices = #map2}]} {
    %mul3A = arith.constant 2 : i32
    %mul3A_0 = arith.muli %arg1, %mul3A : i32
    %add3A = arith.addi %mul3A_0, %arg0 : i32
    %mul3A_1 = arith.constant 32 : i32
    %mul3A_2 = arith.muli %add3A, %mul3A_1 : i32
    %mul3A_3 = arith.constant 200 : i32
    %mul3A_4 = arith.muli %mul3A_2, %mul3A_3 : i32
    "tpu.region"() ({
      %run_scoped3A = tpu.sem_alloc : memref<!tpu.dma_semaphore, #tpu.memory_space<semaphore_mem>>
      %dma_start3A_97 = tpu.memref_slice %arg2[%mul3A_4] : memref<204800xi32, #tpu.memory_space<hbm>> -> memref<6400xi32, #tpu.memory_space<hbm>>
      %dma_start3A_98 = tpu.memref_slice %arg2[%mul3A_4] : memref<204800xi32, #tpu.memory_space<hbm>> -> memref<6400xi32, #tpu.memory_space<hbm>>
      tpu.enqueue_dma source(%dma_start3A_98 : memref<6400xi32, #tpu.memory_space<hbm>>) target(%arg7 : memref<6400xi32, #tpu.memory_space<vmem>>) target_semaphore(%run_scoped3A : memref<!tpu.dma_semaphore, #tpu.memory_space<semaphore_mem>>)
      %dma_wait3A_99 = tpu.memref_slice %arg2[%mul3A_4] : memref<204800xi32, #tpu.memory_space<hbm>> -> memref<6400xi32, #tpu.memory_space<hbm>>
      %dma_wait3A_100 = tpu.memref_slice %arg2[%mul3A_4] : memref<204800xi32, #tpu.memory_space<hbm>> -> memref<6400xi32, #tpu.memory_space<hbm>>
      tpu.wait_dma2 semaphore(%run_scoped3A : memref<!tpu.dma_semaphore, #tpu.memory_space<semaphore_mem>>) src(%dma_wait3A_100 : memref<6400xi32, #tpu.memory_space<hbm>>) dst(%arg7 : memref<6400xi32, #tpu.memory_space<vmem>>)
      tpu.yield
    }) : () -> ()
    %eq3A = arith.constant 0 : i32
    %eq3A_5 = arith.cmpi eq, %arg1, %eq3A : i32
    %convert_element_type3A = arith.extui %eq3A_5 : i1 to i32
    %cond3A = arith.constant 0 : i32
    %cond3A_6 = arith.cmpi ne, %convert_element_type3A, %cond3A : i32
    scf.if %cond3A_6 {
      "tpu.region"() ({
        %run_scoped3A = tpu.sem_alloc : memref<!tpu.dma_semaphore, #tpu.memory_space<semaphore_mem>>
        tpu.enqueue_dma source(%arg3 : memref<200x128xf32, #tpu.memory_space<hbm>>) target(%arg6 : memref<200x128xf32, #tpu.memory_space<vmem_shared>>) target_semaphore(%run_scoped3A : memref<!tpu.dma_semaphore, #tpu.memory_space<semaphore_mem>>)
        tpu.wait_dma2 semaphore(%run_scoped3A : memref<!tpu.dma_semaphore, #tpu.memory_space<semaphore_mem>>) src(%arg3 : memref<200x128xf32, #tpu.memory_space<hbm>>) dst(%arg6 : memref<200x128xf32, #tpu.memory_space<vmem_shared>>)
        tpu.yield
      }) : () -> ()
    } else {
    }
    %barrier3A = arith.constant 0 : index
    tpu.barrier barrier_id(%barrier3A)
    "tpu.region"() ({
      %run_scoped3A = tpu.sem_alloc : memref<!tpu.dma_semaphore, #tpu.memory_space<semaphore_mem>>
      %dma_start3A_97 = arith.constant 0 : i32
      %dma_start3A_98 = arith.constant 0 : i32
      %dma_start3A_99 = tpu.memref_slice %arg8[%dma_start3A_97, %dma_start3A_98] : memref<104x128xf32, #tpu.memory_space<vmem>> -> memref<104x128xf32, #tpu.memory_space<vmem>>
      %dma_start3A_100 = arith.constant 0 : i32
      %dma_start3A_101 = arith.constant 0 : i32
      %dma_start3A_102 = tpu.memref_slice %arg6[%dma_start3A_100, %dma_start3A_101] : memref<200x128xf32, #tpu.memory_space<vmem_shared>> -> memref<104x128xf32, #tpu.memory_space<vmem_shared>>
      %dma_start3A_103 = arith.constant 0 : i32
      %dma_start3A_104 = arith.constant 0 : i32
      %dma_start3A_105 = tpu.memref_slice %arg8[%dma_start3A_103, %dma_start3A_104] : memref<104x128xf32, #tpu.memory_space<vmem>> -> memref<104x128xf32, #tpu.memory_space<vmem>>
      %dma_start3A_106 = arith.constant 0 : i32
      %dma_start3A_107 = arith.constant 0 : i32
      %dma_start3A_108 = tpu.memref_slice %arg6[%dma_start3A_106, %dma_start3A_107] : memref<200x128xf32, #tpu.memory_space<vmem_shared>> -> memref<104x128xf32, #tpu.memory_space<vmem_shared>>
      tpu.enqueue_dma source(%dma_start3A_108 : memref<104x128xf32, #tpu.memory_space<vmem_shared>>) target(%dma_start3A_105 : memref<104x128xf32, #tpu.memory_space<vmem>>) target_semaphore(%run_scoped3A : memref<!tpu.dma_semaphore, #tpu.memory_space<semaphore_mem>>)
      %dma_wait3A_109 = arith.constant 0 : i32
      %dma_wait3A_110 = arith.constant 0 : i32
      %dma_wait3A_111 = tpu.memref_slice %arg8[%dma_wait3A_109, %dma_wait3A_110] : memref<104x128xf32, #tpu.memory_space<vmem>> -> memref<104x128xf32, #tpu.memory_space<vmem>>
      %dma_wait3A_112 = arith.constant 0 : i32
      %dma_wait3A_113 = arith.constant 0 : i32
      %dma_wait3A_114 = tpu.memref_slice %arg6[%dma_wait3A_112, %dma_wait3A_113] : memref<200x128xf32, #tpu.memory_space<vmem_shared>> -> memref<104x128xf32, #tpu.memory_space<vmem_shared>>
      %dma_wait3A_115 = arith.constant 0 : i32
      %dma_wait3A_116 = arith.constant 0 : i32
      %dma_wait3A_117 = tpu.memref_slice %arg8[%dma_wait3A_115, %dma_wait3A_116] : memref<104x128xf32, #tpu.memory_space<vmem>> -> memref<104x128xf32, #tpu.memory_space<vmem>>
      %dma_wait3A_118 = arith.constant 0 : i32
      %dma_wait3A_119 = arith.constant 0 : i32
      %dma_wait3A_120 = tpu.memref_slice %arg6[%dma_wait3A_118, %dma_wait3A_119] : memref<200x128xf32, #tpu.memory_space<vmem_shared>> -> memref<104x128xf32, #tpu.memory_space<vmem_shared>>
      tpu.wait_dma2 semaphore(%run_scoped3A : memref<!tpu.dma_semaphore, #tpu.memory_space<semaphore_mem>>) src(%dma_wait3A_120 : memref<104x128xf32, #tpu.memory_space<vmem_shared>>) dst(%dma_wait3A_117 : memref<104x128xf32, #tpu.memory_space<vmem>>)
      tpu.yield
    }) : () -> ()
    %dma_start3A = arith.constant 0 : i32
    %dma_start3A_7 = arith.constant 0 : i32
    %dma_start3A_8 = tpu.memref_slice %arg8[%dma_start3A, %dma_start3A_7] : memref<104x128xf32, #tpu.memory_space<vmem>> -> memref<104x128xf32, #tpu.memory_space<vmem>>
    %dma_start3A_9 = arith.constant 0 : i32
    %dma_start3A_10 = tpu.memref_slice %arg7[%dma_start3A_9] : memref<6400xi32, #tpu.memory_space<vmem>> -> memref<104xi32, #tpu.memory_space<vmem>>
    %dma_start3A_11 = arith.constant 0 : i32
    %dma_start3A_12 = arith.constant 0 : i32
    %dma_start3A_13 = tpu.memref_slice %arg4[%dma_start3A_11, %dma_start3A_12] : memref<1000000x128xf32, #tpu.memory_space<hbm>> -> memref<1000000x128xf32, #tpu.memory_space<hbm>>
    tpu.enqueue_indirect_dma source(%dma_start3A_13 : memref<1000000x128xf32, #tpu.memory_space<hbm>>) target(%dma_start3A_8 : memref<104x128xf32, #tpu.memory_space<vmem>>) offsets(%dma_start3A_10 : memref<104xi32, #tpu.memory_space<vmem>>) semaphore(%arg16 : memref<!tpu.dma_semaphore, #tpu.memory_space<semaphore_mem>>) {add = true}
    "tpu.region"() ({
      %run_scoped3A = tpu.sem_alloc : memref<!tpu.dma_semaphore, #tpu.memory_space<semaphore_mem>>
      %dma_start3A_97 = arith.constant 0 : i32
      %dma_start3A_98 = arith.constant 0 : i32
      %dma_start3A_99 = tpu.memref_slice %arg9[%dma_start3A_97, %dma_start3A_98] : memref<104x128xf32, #tpu.memory_space<vmem>> -> memref<96x128xf32, #tpu.memory_space<vmem>>
      %dma_start3A_100 = arith.constant 104 : i32
      %dma_start3A_101 = arith.constant 0 : i32
      %dma_start3A_102 = tpu.memref_slice %arg6[%dma_start3A_100, %dma_start3A_101] : memref<200x128xf32, #tpu.memory_space<vmem_shared>> -> memref<96x128xf32, #tpu.memory_space<vmem_shared>>
      %dma_start3A_103 = arith.constant 0 : i32
      %dma_start3A_104 = arith.constant 0 : i32
      %dma_start3A_105 = tpu.memref_slice %arg9[%dma_start3A_103, %dma_start3A_104] : memref<104x128xf32, #tpu.memory_space<vmem>> -> memref<96x128xf32, #tpu.memory_space<vmem>>
      %dma_start3A_106 = arith.constant 104 : i32
      %dma_start3A_107 = arith.constant 0 : i32
      %dma_start3A_108 = tpu.memref_slice %arg6[%dma_start3A_106, %dma_start3A_107] : memref<200x128xf32, #tpu.memory_space<vmem_shared>> -> memref<96x128xf32, #tpu.memory_space<vmem_shared>>
      tpu.enqueue_dma source(%dma_start3A_108 : memref<96x128xf32, #tpu.memory_space<vmem_shared>>) target(%dma_start3A_105 : memref<96x128xf32, #tpu.memory_space<vmem>>) target_semaphore(%run_scoped3A : memref<!tpu.dma_semaphore, #tpu.memory_space<semaphore_mem>>)
      %dma_wait3A_109 = arith.constant 0 : i32
      %dma_wait3A_110 = arith.constant 0 : i32
      %dma_wait3A_111 = tpu.memref_slice %arg9[%dma_wait3A_109, %dma_wait3A_110] : memref<104x128xf32, #tpu.memory_space<vmem>> -> memref<96x128xf32, #tpu.memory_space<vmem>>
      %dma_wait3A_112 = arith.constant 104 : i32
      %dma_wait3A_113 = arith.constant 0 : i32
      %dma_wait3A_114 = tpu.memref_slice %arg6[%dma_wait3A_112, %dma_wait3A_113] : memref<200x128xf32, #tpu.memory_space<vmem_shared>> -> memref<96x128xf32, #tpu.memory_space<vmem_shared>>
      %dma_wait3A_115 = arith.constant 0 : i32
      %dma_wait3A_116 = arith.constant 0 : i32
      %dma_wait3A_117 = tpu.memref_slice %arg9[%dma_wait3A_115, %dma_wait3A_116] : memref<104x128xf32, #tpu.memory_space<vmem>> -> memref<96x128xf32, #tpu.memory_space<vmem>>
      %dma_wait3A_118 = arith.constant 104 : i32
      %dma_wait3A_119 = arith.constant 0 : i32
      %dma_wait3A_120 = tpu.memref_slice %arg6[%dma_wait3A_118, %dma_wait3A_119] : memref<200x128xf32, #tpu.memory_space<vmem_shared>> -> memref<96x128xf32, #tpu.memory_space<vmem_shared>>
      tpu.wait_dma2 semaphore(%run_scoped3A : memref<!tpu.dma_semaphore, #tpu.memory_space<semaphore_mem>>) src(%dma_wait3A_120 : memref<96x128xf32, #tpu.memory_space<vmem_shared>>) dst(%dma_wait3A_117 : memref<96x128xf32, #tpu.memory_space<vmem>>)
      tpu.yield
    }) : () -> ()
    %dma_start3A_14 = arith.constant 0 : i32
    %dma_start3A_15 = arith.constant 0 : i32
    %dma_start3A_16 = tpu.memref_slice %arg9[%dma_start3A_14, %dma_start3A_15] : memref<104x128xf32, #tpu.memory_space<vmem>> -> memref<96x128xf32, #tpu.memory_space<vmem>>
    %dma_start3A_17 = arith.constant 104 : i32
    %dma_start3A_18 = tpu.memref_slice %arg7[%dma_start3A_17] : memref<6400xi32, #tpu.memory_space<vmem>> -> memref<96xi32, #tpu.memory_space<vmem>>
    %dma_start3A_19 = arith.constant 0 : i32
    %dma_start3A_20 = arith.constant 0 : i32
    %dma_start3A_21 = tpu.memref_slice %arg4[%dma_start3A_19, %dma_start3A_20] : memref<1000000x128xf32, #tpu.memory_space<hbm>> -> memref<1000000x128xf32, #tpu.memory_space<hbm>>
    tpu.enqueue_indirect_dma source(%dma_start3A_21 : memref<1000000x128xf32, #tpu.memory_space<hbm>>) target(%dma_start3A_16 : memref<96x128xf32, #tpu.memory_space<vmem>>) offsets(%dma_start3A_18 : memref<96xi32, #tpu.memory_space<vmem>>) semaphore(%arg17 : memref<!tpu.dma_semaphore, #tpu.memory_space<semaphore_mem>>) {add = true}
    %scan3A = arith.constant 0 : i32
    %scan3A_22 = arith.constant 8 : i32
    %scan3A_23 = arith.addi %scan3A, %scan3A_22 : i32
    %scan3A_24 = arith.constant 1 : i32
    scf.for %scan3A_97 = %scan3A to %scan3A_23 step %scan3A_24  : i32 {
      %mul3A_98 = arith.constant 8 : i32
      %mul3A_99 = arith.muli %scan3A_97, %mul3A_98 : i32
      %add3A_100 = arith.constant 0 : i32
      %add3A_101 = arith.addi %add3A_100, %mul3A_99 : i32
      %add3A_102 = arith.constant 0 : i32
      %add3A_103 = arith.addi %add3A_101, %add3A_102 : i32
      %jit3A = arith.constant 2 : i32
      %div3A = arith.divsi %add3A_101, %jit3A : i32
      %sign3A = arith.constant 0 : i32
      %sign3A_104 = arith.cmpi sgt, %add3A_101, %sign3A : i32
      %sign3A_105 = arith.extui %sign3A_104 : i1 to i32
      %sign3A_106 = arith.constant 0 : i32
      %sign3A_107 = arith.cmpi slt, %add3A_101, %sign3A_106 : i32
      %sign3A_108 = arith.extui %sign3A_107 : i1 to i32
      %sign3A_109 = arith.subi %sign3A_105, %sign3A_108 : i32
      %sign3A_110 = arith.constant 0 : i32
      %sign3A_111 = arith.cmpi sgt, %jit3A, %sign3A_110 : i32
      %sign3A_112 = arith.extui %sign3A_111 : i1 to i32
      %sign3A_113 = arith.constant 0 : i32
      %sign3A_114 = arith.cmpi slt, %jit3A, %sign3A_113 : i32
      %sign3A_115 = arith.extui %sign3A_114 : i1 to i32
      %sign3A_116 = arith.subi %sign3A_112, %sign3A_115 : i32
      %ne3A = arith.cmpi ne, %sign3A_109, %sign3A_116 : i32
      %rem3A = arith.remsi %add3A_101, %jit3A : i32
      %ne3A_117 = arith.constant 0 : i32
      %ne3A_118 = arith.cmpi ne, %rem3A, %ne3A_117 : i32
      %and3A = arith.andi %ne3A, %ne3A_118 : i1
      %sub3A = arith.constant 1 : i32
      %sub3A_119 = arith.subi %div3A, %sub3A : i32
      %select_n3A = arith.select %and3A, %sub3A_119, %div3A : i32
      %add3A_120 = arith.constant 0 : i32
      %add3A_121 = arith.addi %select_n3A, %add3A_120 : i32
      %dma_wait3A_122 = arith.constant 0 : i32
      %dma_wait3A_123 = arith.constant 0 : i32
      %dma_wait3A_124 = tpu.memref_slice %arg8[%dma_wait3A_122, %dma_wait3A_123] : memref<104x128xf32, #tpu.memory_space<vmem>> -> memref<104x128xf32, #tpu.memory_space<vmem>>
      %dma_wait3A_125 = arith.constant 0 : i32
      %dma_wait3A_126 = arith.constant 0 : i32
      %dma_wait3A_127 = tpu.memref_slice %arg4[%dma_wait3A_125, %dma_wait3A_126] : memref<1000000x128xf32, #tpu.memory_space<hbm>> -> memref<104x128xf32, #tpu.memory_space<hbm>>
      %dma_wait3A_128 = arith.constant 0 : i32
      %dma_wait3A_129 = arith.constant 0 : i32
      %dma_wait3A_130 = tpu.memref_slice %arg8[%dma_wait3A_128, %dma_wait3A_129] : memref<104x128xf32, #tpu.memory_space<vmem>> -> memref<104x128xf32, #tpu.memory_space<vmem>>
      %dma_wait3A_131 = arith.constant 0 : i32
      %dma_wait3A_132 = arith.constant 0 : i32
      %dma_wait3A_133 = tpu.memref_slice %arg4[%dma_wait3A_131, %dma_wait3A_132] : memref<1000000x128xf32, #tpu.memory_space<hbm>> -> memref<104x128xf32, #tpu.memory_space<hbm>>
      tpu.wait_dma2 semaphore(%arg16 : memref<!tpu.dma_semaphore, #tpu.memory_space<semaphore_mem>>) src(%dma_wait3A_133 : memref<104x128xf32, #tpu.memory_space<hbm>>) dst(%dma_wait3A_130 : memref<104x128xf32, #tpu.memory_space<vmem>>)
      %add3A_134 = arith.addi %mul3A_2, %add3A_121 : i32
      %dma_start3A_135 = arith.constant 0 : i32
      %dma_start3A_136 = arith.constant 0 : i32
      %dma_start3A_137 = tpu.memref_slice %arg8[%dma_start3A_135, %dma_start3A_136] : memref<104x128xf32, #tpu.memory_space<vmem>> -> memref<104x128xf32, #tpu.memory_space<vmem>>
      %dma_start3A_138 = arith.constant 0 : i32
      %dma_start3A_139 = arith.constant 0 : i32
      %dma_start3A_140 = tpu.memref_slice %arg5[%add3A_134, %dma_start3A_138, %dma_start3A_139] : memref<1024x200x128xf32, #tpu.memory_space<hbm>> -> memref<1x104x128xf32, #tpu.memory_space<hbm>>
      %dma_start3A_141 = tpu.memref_squeeze %dma_start3A_140 : memref<1x104x128xf32, #tpu.memory_space<hbm>> -> memref<104x128xf32, #tpu.memory_space<hbm>>
      %dma_start3A_142 = arith.constant 0 : i32
      %dma_start3A_143 = arith.constant 0 : i32
      %dma_start3A_144 = tpu.memref_slice %arg5[%add3A_134, %dma_start3A_142, %dma_start3A_143] : memref<1024x200x128xf32, #tpu.memory_space<hbm>> -> memref<1x104x128xf32, #tpu.memory_space<hbm>>
      %dma_start3A_145 = tpu.memref_squeeze %dma_start3A_144 : memref<1x104x128xf32, #tpu.memory_space<hbm>> -> memref<104x128xf32, #tpu.memory_space<hbm>>
      %dma_start3A_146 = arith.constant 0 : i32
      %dma_start3A_147 = arith.constant 0 : i32
      %dma_start3A_148 = tpu.memref_slice %arg8[%dma_start3A_146, %dma_start3A_147] : memref<104x128xf32, #tpu.memory_space<vmem>> -> memref<104x128xf32, #tpu.memory_space<vmem>>
      tpu.enqueue_dma source(%dma_start3A_148 : memref<104x128xf32, #tpu.memory_space<vmem>>) target(%dma_start3A_145 : memref<104x128xf32, #tpu.memory_space<hbm>>) target_semaphore(%arg24 : memref<!tpu.dma_semaphore, #tpu.memory_space<semaphore_mem>>)
      %jit3A_149 = arith.constant 2 : i32
      %div3A_150 = arith.divsi %add3A_101, %jit3A_149 : i32
      %sign3A_151 = arith.constant 0 : i32
      %sign3A_152 = arith.cmpi sgt, %add3A_101, %sign3A_151 : i32
      %sign3A_153 = arith.extui %sign3A_152 : i1 to i32
      %sign3A_154 = arith.constant 0 : i32
      %sign3A_155 = arith.cmpi slt, %add3A_101, %sign3A_154 : i32
      %sign3A_156 = arith.extui %sign3A_155 : i1 to i32
      %sign3A_157 = arith.subi %sign3A_153, %sign3A_156 : i32
      %sign3A_158 = arith.constant 0 : i32
      %sign3A_159 = arith.cmpi sgt, %jit3A_149, %sign3A_158 : i32
      %sign3A_160 = arith.extui %sign3A_159 : i1 to i32
      %sign3A_161 = arith.constant 0 : i32
      %sign3A_162 = arith.cmpi slt, %jit3A_149, %sign3A_161 : i32
      %sign3A_163 = arith.extui %sign3A_162 : i1 to i32
      %sign3A_164 = arith.subi %sign3A_160, %sign3A_163 : i32
      %ne3A_165 = arith.cmpi ne, %sign3A_157, %sign3A_164 : i32
      %rem3A_166 = arith.remsi %add3A_101, %jit3A_149 : i32
      %ne3A_167 = arith.constant 0 : i32
      %ne3A_168 = arith.cmpi ne, %rem3A_166, %ne3A_167 : i32
      %and3A_169 = arith.andi %ne3A_165, %ne3A_168 : i1
      %sub3A_170 = arith.constant 1 : i32
      %sub3A_171 = arith.subi %div3A_150, %sub3A_170 : i32
      %select_n3A_172 = arith.select %and3A_169, %sub3A_171, %div3A_150 : i32
      %add3A_173 = arith.constant 1 : i32
      %add3A_174 = arith.addi %select_n3A_172, %add3A_173 : i32
      %ge3A = arith.constant 6 : i32
      %ge3A_175 = arith.cmpi sge, %add3A_103, %ge3A : i32
      %convert_element_type3A_176 = arith.extui %ge3A_175 : i1 to i32
      %cond3A_177 = arith.constant 0 : i32
      %cond3A_178 = arith.cmpi ne, %convert_element_type3A_176, %cond3A_177 : i32
      scf.if %cond3A_178 {
        %dma_wait3A_836 = arith.constant 0 : i32
        %dma_wait3A_837 = arith.constant 0 : i32
        %dma_wait3A_838 = tpu.memref_slice %arg10[%dma_wait3A_836, %dma_wait3A_837] : memref<104x128xf32, #tpu.memory_space<vmem>> -> memref<104x128xf32, #tpu.memory_space<vmem>>
        %dma_wait3A_839 = arith.constant 0 : i32
        %dma_wait3A_840 = arith.constant 0 : i32
        %dma_wait3A_841 = tpu.memref_slice %arg4[%dma_wait3A_839, %dma_wait3A_840] : memref<1000000x128xf32, #tpu.memory_space<hbm>> -> memref<104x128xf32, #tpu.memory_space<hbm>>
        %dma_wait3A_842 = arith.constant 0 : i32
        %dma_wait3A_843 = arith.constant 0 : i32
        %dma_wait3A_844 = tpu.memref_slice %arg10[%dma_wait3A_842, %dma_wait3A_843] : memref<104x128xf32, #tpu.memory_space<vmem>> -> memref<104x128xf32, #tpu.memory_space<vmem>>
        %dma_wait3A_845 = arith.constant 0 : i32
        %dma_wait3A_846 = arith.constant 0 : i32
        %dma_wait3A_847 = tpu.memref_slice %arg4[%dma_wait3A_845, %dma_wait3A_846] : memref<1000000x128xf32, #tpu.memory_space<hbm>> -> memref<104x128xf32, #tpu.memory_space<hbm>>
        tpu.wait_dma2 semaphore(%arg26 : memref<!tpu.dma_semaphore, #tpu.memory_space<semaphore_mem>>) src(%dma_wait3A_847 : memref<104x128xf32, #tpu.memory_space<hbm>>) dst(%dma_wait3A_844 : memref<104x128xf32, #tpu.memory_space<vmem>>)
      } else {
      }
      %add3A_179 = arith.constant 2 : i32
      %add3A_180 = arith.addi %add3A_103, %add3A_179 : i32
      %lt3A = arith.constant 64 : i32
      %lt3A_181 = arith.cmpi slt, %add3A_180, %lt3A : i32
      %convert_element_type3A_182 = arith.extui %lt3A_181 : i1 to i32
      %cond3A_183 = arith.constant 0 : i32
      %cond3A_184 = arith.cmpi ne, %convert_element_type3A_182, %cond3A_183 : i32
      scf.if %cond3A_184 {
        "tpu.region"() ({
          %run_scoped3A = tpu.sem_alloc : memref<!tpu.dma_semaphore, #tpu.memory_space<semaphore_mem>>
          %dma_start3A_847 = arith.constant 0 : i32
          %dma_start3A_848 = arith.constant 0 : i32
          %dma_start3A_849 = tpu.memref_slice %arg10[%dma_start3A_847, %dma_start3A_848] : memref<104x128xf32, #tpu.memory_space<vmem>> -> memref<104x128xf32, #tpu.memory_space<vmem>>
          %dma_start3A_850 = arith.constant 0 : i32
          %dma_start3A_851 = arith.constant 0 : i32
          %dma_start3A_852 = tpu.memref_slice %arg6[%dma_start3A_850, %dma_start3A_851] : memref<200x128xf32, #tpu.memory_space<vmem_shared>> -> memref<104x128xf32, #tpu.memory_space<vmem_shared>>
          %dma_start3A_853 = arith.constant 0 : i32
          %dma_start3A_854 = arith.constant 0 : i32
          %dma_start3A_855 = tpu.memref_slice %arg10[%dma_start3A_853, %dma_start3A_854] : memref<104x128xf32, #tpu.memory_space<vmem>> -> memref<104x128xf32, #tpu.memory_space<vmem>>
          %dma_start3A_856 = arith.constant 0 : i32
          %dma_start3A_857 = arith.constant 0 : i32
          %dma_start3A_858 = tpu.memref_slice %arg6[%dma_start3A_856, %dma_start3A_857] : memref<200x128xf32, #tpu.memory_space<vmem_shared>> -> memref<104x128xf32, #tpu.memory_space<vmem_shared>>
          tpu.enqueue_dma source(%dma_start3A_858 : memref<104x128xf32, #tpu.memory_space<vmem_shared>>) target(%dma_start3A_855 : memref<104x128xf32, #tpu.memory_space<vmem>>) target_semaphore(%run_scoped3A : memref<!tpu.dma_semaphore, #tpu.memory_space<semaphore_mem>>)
          %dma_wait3A_859 = arith.constant 0 : i32
          %dma_wait3A_860 = arith.constant 0 : i32
          %dma_wait3A_861 = tpu.memref_slice %arg10[%dma_wait3A_859, %dma_wait3A_860] : memref<104x128xf32, #tpu.memory_space<vmem>> -> memref<104x128xf32, #tpu.memory_space<vmem>>
          %dma_wait3A_862 = arith.constant 0 : i32
          %dma_wait3A_863 = arith.constant 0 : i32
          %dma_wait3A_864 = tpu.memref_slice %arg6[%dma_wait3A_862, %dma_wait3A_863] : memref<200x128xf32, #tpu.memory_space<vmem_shared>> -> memref<104x128xf32, #tpu.memory_space<vmem_shared>>
          %dma_wait3A_865 = arith.constant 0 : i32
          %dma_wait3A_866 = arith.constant 0 : i32
          %dma_wait3A_867 = tpu.memref_slice %arg10[%dma_wait3A_865, %dma_wait3A_866] : memref<104x128xf32, #tpu.memory_space<vmem>> -> memref<104x128xf32, #tpu.memory_space<vmem>>
          %dma_wait3A_868 = arith.constant 0 : i32
          %dma_wait3A_869 = arith.constant 0 : i32
          %dma_wait3A_870 = tpu.memref_slice %arg6[%dma_wait3A_868, %dma_wait3A_869] : memref<200x128xf32, #tpu.memory_space<vmem_shared>> -> memref<104x128xf32, #tpu.memory_space<vmem_shared>>
          tpu.wait_dma2 semaphore(%run_scoped3A : memref<!tpu.dma_semaphore, #tpu.memory_space<semaphore_mem>>) src(%dma_wait3A_870 : memref<104x128xf32, #tpu.memory_space<vmem_shared>>) dst(%dma_wait3A_867 : memref<104x128xf32, #tpu.memory_space<vmem>>)
          tpu.yield
        }) : () -> ()
        %mul3A_836 = arith.constant 200 : i32
        %mul3A_837 = arith.muli %add3A_174, %mul3A_836 : i32
        %add3A_838 = arith.constant 0 : i32
        %add3A_839 = arith.addi %mul3A_837, %add3A_838 : i32
        %dma_start3A_840 = arith.constant 0 : i32
        %dma_start3A_841 = arith.constant 0 : i32
        %dma_start3A_842 = tpu.memref_slice %arg10[%dma_start3A_840, %dma_start3A_841] : memref<104x128xf32, #tpu.memory_space<vmem>> -> memref<104x128xf32, #tpu.memory_space<vmem>>
        %dma_start3A_843 = tpu.memref_slice %arg7[%add3A_839] : memref<6400xi32, #tpu.memory_space<vmem>> -> memref<104xi32, #tpu.memory_space<vmem>>
        %dma_start3A_844 = arith.constant 0 : i32
        %dma_start3A_845 = arith.constant 0 : i32
        %dma_start3A_846 = tpu.memref_slice %arg4[%dma_start3A_844, %dma_start3A_845] : memref<1000000x128xf32, #tpu.memory_space<hbm>> -> memref<1000000x128xf32, #tpu.memory_space<hbm>>
        tpu.enqueue_indirect_dma source(%dma_start3A_846 : memref<1000000x128xf32, #tpu.memory_space<hbm>>) target(%dma_start3A_842 : memref<104x128xf32, #tpu.memory_space<vmem>>) offsets(%dma_start3A_843 : memref<104xi32, #tpu.memory_space<vmem>>) semaphore(%arg18 : memref<!tpu.dma_semaphore, #tpu.memory_space<semaphore_mem>>) {add = true}
      } else {
      }
      %add3A_185 = arith.constant 1 : i32
      %add3A_186 = arith.addi %add3A_101, %add3A_185 : i32
      %jit3A_187 = arith.constant 2 : i32
      %div3A_188 = arith.divsi %add3A_101, %jit3A_187 : i32
      %sign3A_189 = arith.constant 0 : i32
      %sign3A_190 = arith.cmpi sgt, %add3A_101, %sign3A_189 : i32
      %sign3A_191 = arith.extui %sign3A_190 : i1 to i32
      %sign3A_192 = arith.constant 0 : i32
      %sign3A_193 = arith.cmpi slt, %add3A_101, %sign3A_192 : i32
      %sign3A_194 = arith.extui %sign3A_193 : i1 to i32
      %sign3A_195 = arith.subi %sign3A_191, %sign3A_194 : i32
      %sign3A_196 = arith.constant 0 : i32
      %sign3A_197 = arith.cmpi sgt, %jit3A_187, %sign3A_196 : i32
      %sign3A_198 = arith.extui %sign3A_197 : i1 to i32
      %sign3A_199 = arith.constant 0 : i32
      %sign3A_200 = arith.cmpi slt, %jit3A_187, %sign3A_199 : i32
      %sign3A_201 = arith.extui %sign3A_200 : i1 to i32
      %sign3A_202 = arith.subi %sign3A_198, %sign3A_201 : i32
      %ne3A_203 = arith.cmpi ne, %sign3A_195, %sign3A_202 : i32
      %rem3A_204 = arith.remsi %add3A_101, %jit3A_187 : i32
      %ne3A_205 = arith.constant 0 : i32
      %ne3A_206 = arith.cmpi ne, %rem3A_204, %ne3A_205 : i32
      %and3A_207 = arith.andi %ne3A_203, %ne3A_206 : i1
      %sub3A_208 = arith.constant 1 : i32
      %sub3A_209 = arith.subi %div3A_188, %sub3A_208 : i32
      %select_n3A_210 = arith.select %and3A_207, %sub3A_209, %div3A_188 : i32
      %add3A_211 = arith.constant 0 : i32
      %add3A_212 = arith.addi %select_n3A_210, %add3A_211 : i32
      %dma_wait3A_213 = arith.constant 0 : i32
      %dma_wait3A_214 = arith.constant 0 : i32
      %dma_wait3A_215 = tpu.memref_slice %arg9[%dma_wait3A_213, %dma_wait3A_214] : memref<104x128xf32, #tpu.memory_space<vmem>> -> memref<96x128xf32, #tpu.memory_space<vmem>>
      %dma_wait3A_216 = arith.constant 0 : i32
      %dma_wait3A_217 = arith.constant 0 : i32
      %dma_wait3A_218 = tpu.memref_slice %arg4[%dma_wait3A_216, %dma_wait3A_217] : memref<1000000x128xf32, #tpu.memory_space<hbm>> -> memref<96x128xf32, #tpu.memory_space<hbm>>
      %dma_wait3A_219 = arith.constant 0 : i32
      %dma_wait3A_220 = arith.constant 0 : i32
      %dma_wait3A_221 = tpu.memref_slice %arg9[%dma_wait3A_219, %dma_wait3A_220] : memref<104x128xf32, #tpu.memory_space<vmem>> -> memref<96x128xf32, #tpu.memory_space<vmem>>
      %dma_wait3A_222 = arith.constant 0 : i32
      %dma_wait3A_223 = arith.constant 0 : i32
      %dma_wait3A_224 = tpu.memref_slice %arg4[%dma_wait3A_222, %dma_wait3A_223] : memref<1000000x128xf32, #tpu.memory_space<hbm>> -> memref<96x128xf32, #tpu.memory_space<hbm>>
      tpu.wait_dma2 semaphore(%arg17 : memref<!tpu.dma_semaphore, #tpu.memory_space<semaphore_mem>>) src(%dma_wait3A_224 : memref<96x128xf32, #tpu.memory_space<hbm>>) dst(%dma_wait3A_221 : memref<96x128xf32, #tpu.memory_space<vmem>>)
      %add3A_225 = arith.addi %mul3A_2, %add3A_212 : i32
      %dma_start3A_226 = arith.constant 0 : i32
      %dma_start3A_227 = arith.constant 0 : i32
      %dma_start3A_228 = tpu.memref_slice %arg9[%dma_start3A_226, %dma_start3A_227] : memref<104x128xf32, #tpu.memory_space<vmem>> -> memref<96x128xf32, #tpu.memory_space<vmem>>
      %dma_start3A_229 = arith.constant 104 : i32
      %dma_start3A_230 = arith.constant 0 : i32
      %dma_start3A_231 = tpu.memref_slice %arg5[%add3A_225, %dma_start3A_229, %dma_start3A_230] : memref<1024x200x128xf32, #tpu.memory_space<hbm>> -> memref<1x96x128xf32, #tpu.memory_space<hbm>>
      %dma_start3A_232 = tpu.memref_squeeze %dma_start3A_231 : memref<1x96x128xf32, #tpu.memory_space<hbm>> -> memref<96x128xf32, #tpu.memory_space<hbm>>
      %dma_start3A_233 = arith.constant 104 : i32
      %dma_start3A_234 = arith.constant 0 : i32
      %dma_start3A_235 = tpu.memref_slice %arg5[%add3A_225, %dma_start3A_233, %dma_start3A_234] : memref<1024x200x128xf32, #tpu.memory_space<hbm>> -> memref<1x96x128xf32, #tpu.memory_space<hbm>>
      %dma_start3A_236 = tpu.memref_squeeze %dma_start3A_235 : memref<1x96x128xf32, #tpu.memory_space<hbm>> -> memref<96x128xf32, #tpu.memory_space<hbm>>
      %dma_start3A_237 = arith.constant 0 : i32
      %dma_start3A_238 = arith.constant 0 : i32
      %dma_start3A_239 = tpu.memref_slice %arg9[%dma_start3A_237, %dma_start3A_238] : memref<104x128xf32, #tpu.memory_space<vmem>> -> memref<96x128xf32, #tpu.memory_space<vmem>>
      tpu.enqueue_dma source(%dma_start3A_239 : memref<96x128xf32, #tpu.memory_space<vmem>>) target(%dma_start3A_236 : memref<96x128xf32, #tpu.memory_space<hbm>>) target_semaphore(%arg25 : memref<!tpu.dma_semaphore, #tpu.memory_space<semaphore_mem>>)
      %jit3A_240 = arith.constant 2 : i32
      %div3A_241 = arith.divsi %add3A_101, %jit3A_240 : i32
      %sign3A_242 = arith.constant 0 : i32
      %sign3A_243 = arith.cmpi sgt, %add3A_101, %sign3A_242 : i32
      %sign3A_244 = arith.extui %sign3A_243 : i1 to i32
      %sign3A_245 = arith.constant 0 : i32
      %sign3A_246 = arith.cmpi slt, %add3A_101, %sign3A_245 : i32
      %sign3A_247 = arith.extui %sign3A_246 : i1 to i32
      %sign3A_248 = arith.subi %sign3A_244, %sign3A_247 : i32
      %sign3A_249 = arith.constant 0 : i32
      %sign3A_250 = arith.cmpi sgt, %jit3A_240, %sign3A_249 : i32
      %sign3A_251 = arith.extui %sign3A_250 : i1 to i32
      %sign3A_252 = arith.constant 0 : i32
      %sign3A_253 = arith.cmpi slt, %jit3A_240, %sign3A_252 : i32
      %sign3A_254 = arith.extui %sign3A_253 : i1 to i32
      %sign3A_255 = arith.subi %sign3A_251, %sign3A_254 : i32
      %ne3A_256 = arith.cmpi ne, %sign3A_248, %sign3A_255 : i32
      %rem3A_257 = arith.remsi %add3A_101, %jit3A_240 : i32
      %ne3A_258 = arith.constant 0 : i32
      %ne3A_259 = arith.cmpi ne, %rem3A_257, %ne3A_258 : i32
      %and3A_260 = arith.andi %ne3A_256, %ne3A_259 : i1
      %sub3A_261 = arith.constant 1 : i32
      %sub3A_262 = arith.subi %div3A_241, %sub3A_261 : i32
      %select_n3A_263 = arith.select %and3A_260, %sub3A_262, %div3A_241 : i32
      %add3A_264 = arith.constant 1 : i32
      %add3A_265 = arith.addi %select_n3A_263, %add3A_264 : i32
      %ge3A_266 = arith.constant 6 : i32
      %ge3A_267 = arith.cmpi sge, %add3A_186, %ge3A_266 : i32
      %convert_element_type3A_268 = arith.extui %ge3A_267 : i1 to i32
      %cond3A_269 = arith.constant 0 : i32
      %cond3A_270 = arith.cmpi ne, %convert_element_type3A_268, %cond3A_269 : i32
      scf.if %cond3A_270 {
        %dma_wait3A_836 = arith.constant 0 : i32
        %dma_wait3A_837 = arith.constant 0 : i32
        %dma_wait3A_838 = tpu.memref_slice %arg11[%dma_wait3A_836, %dma_wait3A_837] : memref<104x128xf32, #tpu.memory_space<vmem>> -> memref<96x128xf32, #tpu.memory_space<vmem>>
        %dma_wait3A_839 = arith.constant 0 : i32
        %dma_wait3A_840 = arith.constant 0 : i32
        %dma_wait3A_841 = tpu.memref_slice %arg4[%dma_wait3A_839, %dma_wait3A_840] : memref<1000000x128xf32, #tpu.memory_space<hbm>> -> memref<96x128xf32, #tpu.memory_space<hbm>>
        %dma_wait3A_842 = arith.constant 0 : i32
        %dma_wait3A_843 = arith.constant 0 : i32
        %dma_wait3A_844 = tpu.memref_slice %arg11[%dma_wait3A_842, %dma_wait3A_843] : memref<104x128xf32, #tpu.memory_space<vmem>> -> memref<96x128xf32, #tpu.memory_space<vmem>>
        %dma_wait3A_845 = arith.constant 0 : i32
        %dma_wait3A_846 = arith.constant 0 : i32
        %dma_wait3A_847 = tpu.memref_slice %arg4[%dma_wait3A_845, %dma_wait3A_846] : memref<1000000x128xf32, #tpu.memory_space<hbm>> -> memref<96x128xf32, #tpu.memory_space<hbm>>
        tpu.wait_dma2 semaphore(%arg27 : memref<!tpu.dma_semaphore, #tpu.memory_space<semaphore_mem>>) src(%dma_wait3A_847 : memref<96x128xf32, #tpu.memory_space<hbm>>) dst(%dma_wait3A_844 : memref<96x128xf32, #tpu.memory_space<vmem>>)
      } else {
      }
      %add3A_271 = arith.constant 2 : i32
      %add3A_272 = arith.addi %add3A_186, %add3A_271 : i32
      %lt3A_273 = arith.constant 64 : i32
      %lt3A_274 = arith.cmpi slt, %add3A_272, %lt3A_273 : i32
      %convert_element_type3A_275 = arith.extui %lt3A_274 : i1 to i32
      %cond3A_276 = arith.constant 0 : i32
      %cond3A_277 = arith.cmpi ne, %convert_element_type3A_275, %cond3A_276 : i32
      scf.if %cond3A_277 {
        "tpu.region"() ({
          %run_scoped3A = tpu.sem_alloc : memref<!tpu.dma_semaphore, #tpu.memory_space<semaphore_mem>>
          %dma_start3A_847 = arith.constant 0 : i32
          %dma_start3A_848 = arith.constant 0 : i32
          %dma_start3A_849 = tpu.memref_slice %arg11[%dma_start3A_847, %dma_start3A_848] : memref<104x128xf32, #tpu.memory_space<vmem>> -> memref<96x128xf32, #tpu.memory_space<vmem>>
          %dma_start3A_850 = arith.constant 104 : i32
          %dma_start3A_851 = arith.constant 0 : i32
          %dma_start3A_852 = tpu.memref_slice %arg6[%dma_start3A_850, %dma_start3A_851] : memref<200x128xf32, #tpu.memory_space<vmem_shared>> -> memref<96x128xf32, #tpu.memory_space<vmem_shared>>
          %dma_start3A_853 = arith.constant 0 : i32
          %dma_start3A_854 = arith.constant 0 : i32
          %dma_start3A_855 = tpu.memref_slice %arg11[%dma_start3A_853, %dma_start3A_854] : memref<104x128xf32, #tpu.memory_space<vmem>> -> memref<96x128xf32, #tpu.memory_space<vmem>>
          %dma_start3A_856 = arith.constant 104 : i32
          %dma_start3A_857 = arith.constant 0 : i32
          %dma_start3A_858 = tpu.memref_slice %arg6[%dma_start3A_856, %dma_start3A_857] : memref<200x128xf32, #tpu.memory_space<vmem_shared>> -> memref<96x128xf32, #tpu.memory_space<vmem_shared>>
          tpu.enqueue_dma source(%dma_start3A_858 : memref<96x128xf32, #tpu.memory_space<vmem_shared>>) target(%dma_start3A_855 : memref<96x128xf32, #tpu.memory_space<vmem>>) target_semaphore(%run_scoped3A : memref<!tpu.dma_semaphore, #tpu.memory_space<semaphore_mem>>)
          %dma_wait3A_859 = arith.constant 0 : i32
          %dma_wait3A_860 = arith.constant 0 : i32
          %dma_wait3A_861 = tpu.memref_slice %arg11[%dma_wait3A_859, %dma_wait3A_860] : memref<104x128xf32, #tpu.memory_space<vmem>> -> memref<96x128xf32, #tpu.memory_space<vmem>>
          %dma_wait3A_862 = arith.constant 104 : i32
          %dma_wait3A_863 = arith.constant 0 : i32
          %dma_wait3A_864 = tpu.memref_slice %arg6[%dma_wait3A_862, %dma_wait3A_863] : memref<200x128xf32, #tpu.memory_space<vmem_shared>> -> memref<96x128xf32, #tpu.memory_space<vmem_shared>>
          %dma_wait3A_865 = arith.constant 0 : i32
          %dma_wait3A_866 = arith.constant 0 : i32
          %dma_wait3A_867 = tpu.memref_slice %arg11[%dma_wait3A_865, %dma_wait3A_866] : memref<104x128xf32, #tpu.memory_space<vmem>> -> memref<96x128xf32, #tpu.memory_space<vmem>>
          %dma_wait3A_868 = arith.constant 104 : i32
          %dma_wait3A_869 = arith.constant 0 : i32
          %dma_wait3A_870 = tpu.memref_slice %arg6[%dma_wait3A_868, %dma_wait3A_869] : memref<200x128xf32, #tpu.memory_space<vmem_shared>> -> memref<96x128xf32, #tpu.memory_space<vmem_shared>>
          tpu.wait_dma2 semaphore(%run_scoped3A : memref<!tpu.dma_semaphore, #tpu.memory_space<semaphore_mem>>) src(%dma_wait3A_870 : memref<96x128xf32, #tpu.memory_space<vmem_shared>>) dst(%dma_wait3A_867 : memref<96x128xf32, #tpu.memory_space<vmem>>)
          tpu.yield
        }) : () -> ()
        %mul3A_836 = arith.constant 200 : i32
        %mul3A_837 = arith.muli %add3A_265, %mul3A_836 : i32
        %add3A_838 = arith.constant 104 : i32
        %add3A_839 = arith.addi %mul3A_837, %add3A_838 : i32
        %dma_start3A_840 = arith.constant 0 : i32
        %dma_start3A_841 = arith.constant 0 : i32
        %dma_start3A_842 = tpu.memref_slice %arg11[%dma_start3A_840, %dma_start3A_841] : memref<104x128xf32, #tpu.memory_space<vmem>> -> memref<96x128xf32, #tpu.memory_space<vmem>>
        %dma_start3A_843 = tpu.memref_slice %arg7[%add3A_839] : memref<6400xi32, #tpu.memory_space<vmem>> -> memref<96xi32, #tpu.memory_space<vmem>>
        %dma_start3A_844 = arith.constant 0 : i32
        %dma_start3A_845 = arith.constant 0 : i32
        %dma_start3A_846 = tpu.memref_slice %arg4[%dma_start3A_844, %dma_start3A_845] : memref<1000000x128xf32, #tpu.memory_space<hbm>> -> memref<1000000x128xf32, #tpu.memory_space<hbm>>
        tpu.enqueue_indirect_dma source(%dma_start3A_846 : memref<1000000x128xf32, #tpu.memory_space<hbm>>) target(%dma_start3A_842 : memref<96x128xf32, #tpu.memory_space<vmem>>) offsets(%dma_start3A_843 : memref<96xi32, #tpu.memory_space<vmem>>) semaphore(%arg19 : memref<!tpu.dma_semaphore, #tpu.memory_space<semaphore_mem>>) {add = true}
      } else {
      }
      %add3A_278 = arith.constant 2 : i32
      %add3A_279 = arith.addi %add3A_101, %add3A_278 : i32
      %jit3A_280 = arith.constant 2 : i32
      %div3A_281 = arith.divsi %add3A_101, %jit3A_280 : i32
      %sign3A_282 = arith.constant 0 : i32
      %sign3A_283 = arith.cmpi sgt, %add3A_101, %sign3A_282 : i32
      %sign3A_284 = arith.extui %sign3A_283 : i1 to i32
      %sign3A_285 = arith.constant 0 : i32
      %sign3A_286 = arith.cmpi slt, %add3A_101, %sign3A_285 : i32
      %sign3A_287 = arith.extui %sign3A_286 : i1 to i32
      %sign3A_288 = arith.subi %sign3A_284, %sign3A_287 : i32
      %sign3A_289 = arith.constant 0 : i32
      %sign3A_290 = arith.cmpi sgt, %jit3A_280, %sign3A_289 : i32
      %sign3A_291 = arith.extui %sign3A_290 : i1 to i32
      %sign3A_292 = arith.constant 0 : i32
      %sign3A_293 = arith.cmpi slt, %jit3A_280, %sign3A_292 : i32
      %sign3A_294 = arith.extui %sign3A_293 : i1 to i32
      %sign3A_295 = arith.subi %sign3A_291, %sign3A_294 : i32
      %ne3A_296 = arith.cmpi ne, %sign3A_288, %sign3A_295 : i32
      %rem3A_297 = arith.remsi %add3A_101, %jit3A_280 : i32
      %ne3A_298 = arith.constant 0 : i32
      %ne3A_299 = arith.cmpi ne, %rem3A_297, %ne3A_298 : i32
      %and3A_300 = arith.andi %ne3A_296, %ne3A_299 : i1
      %sub3A_301 = arith.constant 1 : i32
      %sub3A_302 = arith.subi %div3A_281, %sub3A_301 : i32
      %select_n3A_303 = arith.select %and3A_300, %sub3A_302, %div3A_281 : i32
      %add3A_304 = arith.constant 1 : i32
      %add3A_305 = arith.addi %select_n3A_303, %add3A_304 : i32
      %dma_wait3A_306 = arith.constant 0 : i32
      %dma_wait3A_307 = arith.constant 0 : i32
      %dma_wait3A_308 = tpu.memref_slice %arg10[%dma_wait3A_306, %dma_wait3A_307] : memref<104x128xf32, #tpu.memory_space<vmem>> -> memref<104x128xf32, #tpu.memory_space<vmem>>
      %dma_wait3A_309 = arith.constant 0 : i32
      %dma_wait3A_310 = arith.constant 0 : i32
      %dma_wait3A_311 = tpu.memref_slice %arg4[%dma_wait3A_309, %dma_wait3A_310] : memref<1000000x128xf32, #tpu.memory_space<hbm>> -> memref<104x128xf32, #tpu.memory_space<hbm>>
      %dma_wait3A_312 = arith.constant 0 : i32
      %dma_wait3A_313 = arith.constant 0 : i32
      %dma_wait3A_314 = tpu.memref_slice %arg10[%dma_wait3A_312, %dma_wait3A_313] : memref<104x128xf32, #tpu.memory_space<vmem>> -> memref<104x128xf32, #tpu.memory_space<vmem>>
      %dma_wait3A_315 = arith.constant 0 : i32
      %dma_wait3A_316 = arith.constant 0 : i32
      %dma_wait3A_317 = tpu.memref_slice %arg4[%dma_wait3A_315, %dma_wait3A_316] : memref<1000000x128xf32, #tpu.memory_space<hbm>> -> memref<104x128xf32, #tpu.memory_space<hbm>>
      tpu.wait_dma2 semaphore(%arg18 : memref<!tpu.dma_semaphore, #tpu.memory_space<semaphore_mem>>) src(%dma_wait3A_317 : memref<104x128xf32, #tpu.memory_space<hbm>>) dst(%dma_wait3A_314 : memref<104x128xf32, #tpu.memory_space<vmem>>)
      %add3A_318 = arith.addi %mul3A_2, %add3A_305 : i32
      %dma_start3A_319 = arith.constant 0 : i32
      %dma_start3A_320 = arith.constant 0 : i32
      %dma_start3A_321 = tpu.memref_slice %arg10[%dma_start3A_319, %dma_start3A_320] : memref<104x128xf32, #tpu.memory_space<vmem>> -> memref<104x128xf32, #tpu.memory_space<vmem>>
      %dma_start3A_322 = arith.constant 0 : i32
      %dma_start3A_323 = arith.constant 0 : i32
      %dma_start3A_324 = tpu.memref_slice %arg5[%add3A_318, %dma_start3A_322, %dma_start3A_323] : memref<1024x200x128xf32, #tpu.memory_space<hbm>> -> memref<1x104x128xf32, #tpu.memory_space<hbm>>
      %dma_start3A_325 = tpu.memref_squeeze %dma_start3A_324 : memref<1x104x128xf32, #tpu.memory_space<hbm>> -> memref<104x128xf32, #tpu.memory_space<hbm>>
      %dma_start3A_326 = arith.constant 0 : i32
      %dma_start3A_327 = arith.constant 0 : i32
      %dma_start3A_328 = tpu.memref_slice %arg5[%add3A_318, %dma_start3A_326, %dma_start3A_327] : memref<1024x200x128xf32, #tpu.memory_space<hbm>> -> memref<1x104x128xf32, #tpu.memory_space<hbm>>
      %dma_start3A_329 = tpu.memref_squeeze %dma_start3A_328 : memref<1x104x128xf32, #tpu.memory_space<hbm>> -> memref<104x128xf32, #tpu.memory_space<hbm>>
      %dma_start3A_330 = arith.constant 0 : i32
      %dma_start3A_331 = arith.constant 0 : i32
      %dma_start3A_332 = tpu.memref_slice %arg10[%dma_start3A_330, %dma_start3A_331] : memref<104x128xf32, #tpu.memory_space<vmem>> -> memref<104x128xf32, #tpu.memory_space<vmem>>
      tpu.enqueue_dma source(%dma_start3A_332 : memref<104x128xf32, #tpu.memory_space<vmem>>) target(%dma_start3A_329 : memref<104x128xf32, #tpu.memory_space<hbm>>) target_semaphore(%arg26 : memref<!tpu.dma_semaphore, #tpu.memory_space<semaphore_mem>>)
      %jit3A_333 = arith.constant 2 : i32
      %div3A_334 = arith.divsi %add3A_101, %jit3A_333 : i32
      %sign3A_335 = arith.constant 0 : i32
      %sign3A_336 = arith.cmpi sgt, %add3A_101, %sign3A_335 : i32
      %sign3A_337 = arith.extui %sign3A_336 : i1 to i32
      %sign3A_338 = arith.constant 0 : i32
      %sign3A_339 = arith.cmpi slt, %add3A_101, %sign3A_338 : i32
      %sign3A_340 = arith.extui %sign3A_339 : i1 to i32
      %sign3A_341 = arith.subi %sign3A_337, %sign3A_340 : i32
      %sign3A_342 = arith.constant 0 : i32
      %sign3A_343 = arith.cmpi sgt, %jit3A_333, %sign3A_342 : i32
      %sign3A_344 = arith.extui %sign3A_343 : i1 to i32
      %sign3A_345 = arith.constant 0 : i32
      %sign3A_346 = arith.cmpi slt, %jit3A_333, %sign3A_345 : i32
      %sign3A_347 = arith.extui %sign3A_346 : i1 to i32
      %sign3A_348 = arith.subi %sign3A_344, %sign3A_347 : i32
      %ne3A_349 = arith.cmpi ne, %sign3A_341, %sign3A_348 : i32
      %rem3A_350 = arith.remsi %add3A_101, %jit3A_333 : i32
      %ne3A_351 = arith.constant 0 : i32
      %ne3A_352 = arith.cmpi ne, %rem3A_350, %ne3A_351 : i32
      %and3A_353 = arith.andi %ne3A_349, %ne3A_352 : i1
      %sub3A_354 = arith.constant 1 : i32
      %sub3A_355 = arith.subi %div3A_334, %sub3A_354 : i32
      %select_n3A_356 = arith.select %and3A_353, %sub3A_355, %div3A_334 : i32
      %add3A_357 = arith.constant 2 : i32
      %add3A_358 = arith.addi %select_n3A_356, %add3A_357 : i32
      %ge3A_359 = arith.constant 6 : i32
      %ge3A_360 = arith.cmpi sge, %add3A_279, %ge3A_359 : i32
      %convert_element_type3A_361 = arith.extui %ge3A_360 : i1 to i32
      %cond3A_362 = arith.constant 0 : i32
      %cond3A_363 = arith.cmpi ne, %convert_element_type3A_361, %cond3A_362 : i32
      scf.if %cond3A_363 {
        %dma_wait3A_836 = arith.constant 0 : i32
        %dma_wait3A_837 = arith.constant 0 : i32
        %dma_wait3A_838 = tpu.memref_slice %arg12[%dma_wait3A_836, %dma_wait3A_837] : memref<104x128xf32, #tpu.memory_space<vmem>> -> memref<104x128xf32, #tpu.memory_space<vmem>>
        %dma_wait3A_839 = arith.constant 0 : i32
        %dma_wait3A_840 = arith.constant 0 : i32
        %dma_wait3A_841 = tpu.memref_slice %arg4[%dma_wait3A_839, %dma_wait3A_840] : memref<1000000x128xf32, #tpu.memory_space<hbm>> -> memref<104x128xf32, #tpu.memory_space<hbm>>
        %dma_wait3A_842 = arith.constant 0 : i32
        %dma_wait3A_843 = arith.constant 0 : i32
        %dma_wait3A_844 = tpu.memref_slice %arg12[%dma_wait3A_842, %dma_wait3A_843] : memref<104x128xf32, #tpu.memory_space<vmem>> -> memref<104x128xf32, #tpu.memory_space<vmem>>
        %dma_wait3A_845 = arith.constant 0 : i32
        %dma_wait3A_846 = arith.constant 0 : i32
        %dma_wait3A_847 = tpu.memref_slice %arg4[%dma_wait3A_845, %dma_wait3A_846] : memref<1000000x128xf32, #tpu.memory_space<hbm>> -> memref<104x128xf32, #tpu.memory_space<hbm>>
        tpu.wait_dma2 semaphore(%arg28 : memref<!tpu.dma_semaphore, #tpu.memory_space<semaphore_mem>>) src(%dma_wait3A_847 : memref<104x128xf32, #tpu.memory_space<hbm>>) dst(%dma_wait3A_844 : memref<104x128xf32, #tpu.memory_space<vmem>>)
      } else {
      }
      %add3A_364 = arith.constant 2 : i32
      %add3A_365 = arith.addi %add3A_279, %add3A_364 : i32
      %lt3A_366 = arith.constant 64 : i32
      %lt3A_367 = arith.cmpi slt, %add3A_365, %lt3A_366 : i32
      %convert_element_type3A_368 = arith.extui %lt3A_367 : i1 to i32
      %cond3A_369 = arith.constant 0 : i32
      %cond3A_370 = arith.cmpi ne, %convert_element_type3A_368, %cond3A_369 : i32
      scf.if %cond3A_370 {
        "tpu.region"() ({
          %run_scoped3A = tpu.sem_alloc : memref<!tpu.dma_semaphore, #tpu.memory_space<semaphore_mem>>
          %dma_start3A_847 = arith.constant 0 : i32
          %dma_start3A_848 = arith.constant 0 : i32
          %dma_start3A_849 = tpu.memref_slice %arg12[%dma_start3A_847, %dma_start3A_848] : memref<104x128xf32, #tpu.memory_space<vmem>> -> memref<104x128xf32, #tpu.memory_space<vmem>>
          %dma_start3A_850 = arith.constant 0 : i32
          %dma_start3A_851 = arith.constant 0 : i32
          %dma_start3A_852 = tpu.memref_slice %arg6[%dma_start3A_850, %dma_start3A_851] : memref<200x128xf32, #tpu.memory_space<vmem_shared>> -> memref<104x128xf32, #tpu.memory_space<vmem_shared>>
          %dma_start3A_853 = arith.constant 0 : i32
          %dma_start3A_854 = arith.constant 0 : i32
          %dma_start3A_855 = tpu.memref_slice %arg12[%dma_start3A_853, %dma_start3A_854] : memref<104x128xf32, #tpu.memory_space<vmem>> -> memref<104x128xf32, #tpu.memory_space<vmem>>
          %dma_start3A_856 = arith.constant 0 : i32
          %dma_start3A_857 = arith.constant 0 : i32
          %dma_start3A_858 = tpu.memref_slice %arg6[%dma_start3A_856, %dma_start3A_857] : memref<200x128xf32, #tpu.memory_space<vmem_shared>> -> memref<104x128xf32, #tpu.memory_space<vmem_shared>>
          tpu.enqueue_dma source(%dma_start3A_858 : memref<104x128xf32, #tpu.memory_space<vmem_shared>>) target(%dma_start3A_855 : memref<104x128xf32, #tpu.memory_space<vmem>>) target_semaphore(%run_scoped3A : memref<!tpu.dma_semaphore, #tpu.memory_space<semaphore_mem>>)
          %dma_wait3A_859 = arith.constant 0 : i32
          %dma_wait3A_860 = arith.constant 0 : i32
          %dma_wait3A_861 = tpu.memref_slice %arg12[%dma_wait3A_859, %dma_wait3A_860] : memref<104x128xf32, #tpu.memory_space<vmem>> -> memref<104x128xf32, #tpu.memory_space<vmem>>
          %dma_wait3A_862 = arith.constant 0 : i32
          %dma_wait3A_863 = arith.constant 0 : i32
          %dma_wait3A_864 = tpu.memref_slice %arg6[%dma_wait3A_862, %dma_wait3A_863] : memref<200x128xf32, #tpu.memory_space<vmem_shared>> -> memref<104x128xf32, #tpu.memory_space<vmem_shared>>
          %dma_wait3A_865 = arith.constant 0 : i32
          %dma_wait3A_866 = arith.constant 0 : i32
          %dma_wait3A_867 = tpu.memref_slice %arg12[%dma_wait3A_865, %dma_wait3A_866] : memref<104x128xf32, #tpu.memory_space<vmem>> -> memref<104x128xf32, #tpu.memory_space<vmem>>
          %dma_wait3A_868 = arith.constant 0 : i32
          %dma_wait3A_869 = arith.constant 0 : i32
          %dma_wait3A_870 = tpu.memref_slice %arg6[%dma_wait3A_868, %dma_wait3A_869] : memref<200x128xf32, #tpu.memory_space<vmem_shared>> -> memref<104x128xf32, #tpu.memory_space<vmem_shared>>
          tpu.wait_dma2 semaphore(%run_scoped3A : memref<!tpu.dma_semaphore, #tpu.memory_space<semaphore_mem>>) src(%dma_wait3A_870 : memref<104x128xf32, #tpu.memory_space<vmem_shared>>) dst(%dma_wait3A_867 : memref<104x128xf32, #tpu.memory_space<vmem>>)
          tpu.yield
        }) : () -> ()
        %mul3A_836 = arith.constant 200 : i32
        %mul3A_837 = arith.muli %add3A_358, %mul3A_836 : i32
        %add3A_838 = arith.constant 0 : i32
        %add3A_839 = arith.addi %mul3A_837, %add3A_838 : i32
        %dma_start3A_840 = arith.constant 0 : i32
        %dma_start3A_841 = arith.constant 0 : i32
        %dma_start3A_842 = tpu.memref_slice %arg12[%dma_start3A_840, %dma_start3A_841] : memref<104x128xf32, #tpu.memory_space<vmem>> -> memref<104x128xf32, #tpu.memory_space<vmem>>
        %dma_start3A_843 = tpu.memref_slice %arg7[%add3A_839] : memref<6400xi32, #tpu.memory_space<vmem>> -> memref<104xi32, #tpu.memory_space<vmem>>
        %dma_start3A_844 = arith.constant 0 : i32
        %dma_start3A_845 = arith.constant 0 : i32
        %dma_start3A_846 = tpu.memref_slice %arg4[%dma_start3A_844, %dma_start3A_845] : memref<1000000x128xf32, #tpu.memory_space<hbm>> -> memref<1000000x128xf32, #tpu.memory_space<hbm>>
        tpu.enqueue_indirect_dma source(%dma_start3A_846 : memref<1000000x128xf32, #tpu.memory_space<hbm>>) target(%dma_start3A_842 : memref<104x128xf32, #tpu.memory_space<vmem>>) offsets(%dma_start3A_843 : memref<104xi32, #tpu.memory_space<vmem>>) semaphore(%arg20 : memref<!tpu.dma_semaphore, #tpu.memory_space<semaphore_mem>>) {add = true}
      } else {
      }
      %add3A_371 = arith.constant 3 : i32
      %add3A_372 = arith.addi %add3A_101, %add3A_371 : i32
      %jit3A_373 = arith.constant 2 : i32
      %div3A_374 = arith.divsi %add3A_101, %jit3A_373 : i32
      %sign3A_375 = arith.constant 0 : i32
      %sign3A_376 = arith.cmpi sgt, %add3A_101, %sign3A_375 : i32
      %sign3A_377 = arith.extui %sign3A_376 : i1 to i32
      %sign3A_378 = arith.constant 0 : i32
      %sign3A_379 = arith.cmpi slt, %add3A_101, %sign3A_378 : i32
      %sign3A_380 = arith.extui %sign3A_379 : i1 to i32
      %sign3A_381 = arith.subi %sign3A_377, %sign3A_380 : i32
      %sign3A_382 = arith.constant 0 : i32
      %sign3A_383 = arith.cmpi sgt, %jit3A_373, %sign3A_382 : i32
      %sign3A_384 = arith.extui %sign3A_383 : i1 to i32
      %sign3A_385 = arith.constant 0 : i32
      %sign3A_386 = arith.cmpi slt, %jit3A_373, %sign3A_385 : i32
      %sign3A_387 = arith.extui %sign3A_386 : i1 to i32
      %sign3A_388 = arith.subi %sign3A_384, %sign3A_387 : i32
      %ne3A_389 = arith.cmpi ne, %sign3A_381, %sign3A_388 : i32
      %rem3A_390 = arith.remsi %add3A_101, %jit3A_373 : i32
      %ne3A_391 = arith.constant 0 : i32
      %ne3A_392 = arith.cmpi ne, %rem3A_390, %ne3A_391 : i32
      %and3A_393 = arith.andi %ne3A_389, %ne3A_392 : i1
      %sub3A_394 = arith.constant 1 : i32
      %sub3A_395 = arith.subi %div3A_374, %sub3A_394 : i32
      %select_n3A_396 = arith.select %and3A_393, %sub3A_395, %div3A_374 : i32
      %add3A_397 = arith.constant 1 : i32
      %add3A_398 = arith.addi %select_n3A_396, %add3A_397 : i32
      %dma_wait3A_399 = arith.constant 0 : i32
      %dma_wait3A_400 = arith.constant 0 : i32
      %dma_wait3A_401 = tpu.memref_slice %arg11[%dma_wait3A_399, %dma_wait3A_400] : memref<104x128xf32, #tpu.memory_space<vmem>> -> memref<96x128xf32, #tpu.memory_space<vmem>>
      %dma_wait3A_402 = arith.constant 0 : i32
      %dma_wait3A_403 = arith.constant 0 : i32
      %dma_wait3A_404 = tpu.memref_slice %arg4[%dma_wait3A_402, %dma_wait3A_403] : memref<1000000x128xf32, #tpu.memory_space<hbm>> -> memref<96x128xf32, #tpu.memory_space<hbm>>
      %dma_wait3A_405 = arith.constant 0 : i32
      %dma_wait3A_406 = arith.constant 0 : i32
      %dma_wait3A_407 = tpu.memref_slice %arg11[%dma_wait3A_405, %dma_wait3A_406] : memref<104x128xf32, #tpu.memory_space<vmem>> -> memref<96x128xf32, #tpu.memory_space<vmem>>
      %dma_wait3A_408 = arith.constant 0 : i32
      %dma_wait3A_409 = arith.constant 0 : i32
      %dma_wait3A_410 = tpu.memref_slice %arg4[%dma_wait3A_408, %dma_wait3A_409] : memref<1000000x128xf32, #tpu.memory_space<hbm>> -> memref<96x128xf32, #tpu.memory_space<hbm>>
      tpu.wait_dma2 semaphore(%arg19 : memref<!tpu.dma_semaphore, #tpu.memory_space<semaphore_mem>>) src(%dma_wait3A_410 : memref<96x128xf32, #tpu.memory_space<hbm>>) dst(%dma_wait3A_407 : memref<96x128xf32, #tpu.memory_space<vmem>>)
      %add3A_411 = arith.addi %mul3A_2, %add3A_398 : i32
      %dma_start3A_412 = arith.constant 0 : i32
      %dma_start3A_413 = arith.constant 0 : i32
      %dma_start3A_414 = tpu.memref_slice %arg11[%dma_start3A_412, %dma_start3A_413] : memref<104x128xf32, #tpu.memory_space<vmem>> -> memref<96x128xf32, #tpu.memory_space<vmem>>
      %dma_start3A_415 = arith.constant 104 : i32
      %dma_start3A_416 = arith.constant 0 : i32
      %dma_start3A_417 = tpu.memref_slice %arg5[%add3A_411, %dma_start3A_415, %dma_start3A_416] : memref<1024x200x128xf32, #tpu.memory_space<hbm>> -> memref<1x96x128xf32, #tpu.memory_space<hbm>>
      %dma_start3A_418 = tpu.memref_squeeze %dma_start3A_417 : memref<1x96x128xf32, #tpu.memory_space<hbm>> -> memref<96x128xf32, #tpu.memory_space<hbm>>
      %dma_start3A_419 = arith.constant 104 : i32
      %dma_start3A_420 = arith.constant 0 : i32
      %dma_start3A_421 = tpu.memref_slice %arg5[%add3A_411, %dma_start3A_419, %dma_start3A_420] : memref<1024x200x128xf32, #tpu.memory_space<hbm>> -> memref<1x96x128xf32, #tpu.memory_space<hbm>>
      %dma_start3A_422 = tpu.memref_squeeze %dma_start3A_421 : memref<1x96x128xf32, #tpu.memory_space<hbm>> -> memref<96x128xf32, #tpu.memory_space<hbm>>
      %dma_start3A_423 = arith.constant 0 : i32
      %dma_start3A_424 = arith.constant 0 : i32
      %dma_start3A_425 = tpu.memref_slice %arg11[%dma_start3A_423, %dma_start3A_424] : memref<104x128xf32, #tpu.memory_space<vmem>> -> memref<96x128xf32, #tpu.memory_space<vmem>>
      tpu.enqueue_dma source(%dma_start3A_425 : memref<96x128xf32, #tpu.memory_space<vmem>>) target(%dma_start3A_422 : memref<96x128xf32, #tpu.memory_space<hbm>>) target_semaphore(%arg27 : memref<!tpu.dma_semaphore, #tpu.memory_space<semaphore_mem>>)
      %jit3A_426 = arith.constant 2 : i32
      %div3A_427 = arith.divsi %add3A_101, %jit3A_426 : i32
      %sign3A_428 = arith.constant 0 : i32
      %sign3A_429 = arith.cmpi sgt, %add3A_101, %sign3A_428 : i32
      %sign3A_430 = arith.extui %sign3A_429 : i1 to i32
      %sign3A_431 = arith.constant 0 : i32
      %sign3A_432 = arith.cmpi slt, %add3A_101, %sign3A_431 : i32
      %sign3A_433 = arith.extui %sign3A_432 : i1 to i32
      %sign3A_434 = arith.subi %sign3A_430, %sign3A_433 : i32
      %sign3A_435 = arith.constant 0 : i32
      %sign3A_436 = arith.cmpi sgt, %jit3A_426, %sign3A_435 : i32
      %sign3A_437 = arith.extui %sign3A_436 : i1 to i32
      %sign3A_438 = arith.constant 0 : i32
      %sign3A_439 = arith.cmpi slt, %jit3A_426, %sign3A_438 : i32
      %sign3A_440 = arith.extui %sign3A_439 : i1 to i32
      %sign3A_441 = arith.subi %sign3A_437, %sign3A_440 : i32
      %ne3A_442 = arith.cmpi ne, %sign3A_434, %sign3A_441 : i32
      %rem3A_443 = arith.remsi %add3A_101, %jit3A_426 : i32
      %ne3A_444 = arith.constant 0 : i32
      %ne3A_445 = arith.cmpi ne, %rem3A_443, %ne3A_444 : i32
      %and3A_446 = arith.andi %ne3A_442, %ne3A_445 : i1
      %sub3A_447 = arith.constant 1 : i32
      %sub3A_448 = arith.subi %div3A_427, %sub3A_447 : i32
      %select_n3A_449 = arith.select %and3A_446, %sub3A_448, %div3A_427 : i32
      %add3A_450 = arith.constant 2 : i32
      %add3A_451 = arith.addi %select_n3A_449, %add3A_450 : i32
      %ge3A_452 = arith.constant 6 : i32
      %ge3A_453 = arith.cmpi sge, %add3A_372, %ge3A_452 : i32
      %convert_element_type3A_454 = arith.extui %ge3A_453 : i1 to i32
      %cond3A_455 = arith.constant 0 : i32
      %cond3A_456 = arith.cmpi ne, %convert_element_type3A_454, %cond3A_455 : i32
      scf.if %cond3A_456 {
        %dma_wait3A_836 = arith.constant 0 : i32
        %dma_wait3A_837 = arith.constant 0 : i32
        %dma_wait3A_838 = tpu.memref_slice %arg13[%dma_wait3A_836, %dma_wait3A_837] : memref<104x128xf32, #tpu.memory_space<vmem>> -> memref<96x128xf32, #tpu.memory_space<vmem>>
        %dma_wait3A_839 = arith.constant 0 : i32
        %dma_wait3A_840 = arith.constant 0 : i32
        %dma_wait3A_841 = tpu.memref_slice %arg4[%dma_wait3A_839, %dma_wait3A_840] : memref<1000000x128xf32, #tpu.memory_space<hbm>> -> memref<96x128xf32, #tpu.memory_space<hbm>>
        %dma_wait3A_842 = arith.constant 0 : i32
        %dma_wait3A_843 = arith.constant 0 : i32
        %dma_wait3A_844 = tpu.memref_slice %arg13[%dma_wait3A_842, %dma_wait3A_843] : memref<104x128xf32, #tpu.memory_space<vmem>> -> memref<96x128xf32, #tpu.memory_space<vmem>>
        %dma_wait3A_845 = arith.constant 0 : i32
        %dma_wait3A_846 = arith.constant 0 : i32
        %dma_wait3A_847 = tpu.memref_slice %arg4[%dma_wait3A_845, %dma_wait3A_846] : memref<1000000x128xf32, #tpu.memory_space<hbm>> -> memref<96x128xf32, #tpu.memory_space<hbm>>
        tpu.wait_dma2 semaphore(%arg29 : memref<!tpu.dma_semaphore, #tpu.memory_space<semaphore_mem>>) src(%dma_wait3A_847 : memref<96x128xf32, #tpu.memory_space<hbm>>) dst(%dma_wait3A_844 : memref<96x128xf32, #tpu.memory_space<vmem>>)
      } else {
      }
      %add3A_457 = arith.constant 2 : i32
      %add3A_458 = arith.addi %add3A_372, %add3A_457 : i32
      %lt3A_459 = arith.constant 64 : i32
      %lt3A_460 = arith.cmpi slt, %add3A_458, %lt3A_459 : i32
      %convert_element_type3A_461 = arith.extui %lt3A_460 : i1 to i32
      %cond3A_462 = arith.constant 0 : i32
      %cond3A_463 = arith.cmpi ne, %convert_element_type3A_461, %cond3A_462 : i32
      scf.if %cond3A_463 {
        "tpu.region"() ({
          %run_scoped3A = tpu.sem_alloc : memref<!tpu.dma_semaphore, #tpu.memory_space<semaphore_mem>>
          %dma_start3A_847 = arith.constant 0 : i32
          %dma_start3A_848 = arith.constant 0 : i32
          %dma_start3A_849 = tpu.memref_slice %arg13[%dma_start3A_847, %dma_start3A_848] : memref<104x128xf32, #tpu.memory_space<vmem>> -> memref<96x128xf32, #tpu.memory_space<vmem>>
          %dma_start3A_850 = arith.constant 104 : i32
          %dma_start3A_851 = arith.constant 0 : i32
          %dma_start3A_852 = tpu.memref_slice %arg6[%dma_start3A_850, %dma_start3A_851] : memref<200x128xf32, #tpu.memory_space<vmem_shared>> -> memref<96x128xf32, #tpu.memory_space<vmem_shared>>
          %dma_start3A_853 = arith.constant 0 : i32
          %dma_start3A_854 = arith.constant 0 : i32
          %dma_start3A_855 = tpu.memref_slice %arg13[%dma_start3A_853, %dma_start3A_854] : memref<104x128xf32, #tpu.memory_space<vmem>> -> memref<96x128xf32, #tpu.memory_space<vmem>>
          %dma_start3A_856 = arith.constant 104 : i32
          %dma_start3A_857 = arith.constant 0 : i32
          %dma_start3A_858 = tpu.memref_slice %arg6[%dma_start3A_856, %dma_start3A_857] : memref<200x128xf32, #tpu.memory_space<vmem_shared>> -> memref<96x128xf32, #tpu.memory_space<vmem_shared>>
          tpu.enqueue_dma source(%dma_start3A_858 : memref<96x128xf32, #tpu.memory_space<vmem_shared>>) target(%dma_start3A_855 : memref<96x128xf32, #tpu.memory_space<vmem>>) target_semaphore(%run_scoped3A : memref<!tpu.dma_semaphore, #tpu.memory_space<semaphore_mem>>)
          %dma_wait3A_859 = arith.constant 0 : i32
          %dma_wait3A_860 = arith.constant 0 : i32
          %dma_wait3A_861 = tpu.memref_slice %arg13[%dma_wait3A_859, %dma_wait3A_860] : memref<104x128xf32, #tpu.memory_space<vmem>> -> memref<96x128xf32, #tpu.memory_space<vmem>>
          %dma_wait3A_862 = arith.constant 104 : i32
          %dma_wait3A_863 = arith.constant 0 : i32
          %dma_wait3A_864 = tpu.memref_slice %arg6[%dma_wait3A_862, %dma_wait3A_863] : memref<200x128xf32, #tpu.memory_space<vmem_shared>> -> memref<96x128xf32, #tpu.memory_space<vmem_shared>>
          %dma_wait3A_865 = arith.constant 0 : i32
          %dma_wait3A_866 = arith.constant 0 : i32
          %dma_wait3A_867 = tpu.memref_slice %arg13[%dma_wait3A_865, %dma_wait3A_866] : memref<104x128xf32, #tpu.memory_space<vmem>> -> memref<96x128xf32, #tpu.memory_space<vmem>>
          %dma_wait3A_868 = arith.constant 104 : i32
          %dma_wait3A_869 = arith.constant 0 : i32
          %dma_wait3A_870 = tpu.memref_slice %arg6[%dma_wait3A_868, %dma_wait3A_869] : memref<200x128xf32, #tpu.memory_space<vmem_shared>> -> memref<96x128xf32, #tpu.memory_space<vmem_shared>>
          tpu.wait_dma2 semaphore(%run_scoped3A : memref<!tpu.dma_semaphore, #tpu.memory_space<semaphore_mem>>) src(%dma_wait3A_870 : memref<96x128xf32, #tpu.memory_space<vmem_shared>>) dst(%dma_wait3A_867 : memref<96x128xf32, #tpu.memory_space<vmem>>)
          tpu.yield
        }) : () -> ()
        %mul3A_836 = arith.constant 200 : i32
        %mul3A_837 = arith.muli %add3A_451, %mul3A_836 : i32
        %add3A_838 = arith.constant 104 : i32
        %add3A_839 = arith.addi %mul3A_837, %add3A_838 : i32
        %dma_start3A_840 = arith.constant 0 : i32
        %dma_start3A_841 = arith.constant 0 : i32
        %dma_start3A_842 = tpu.memref_slice %arg13[%dma_start3A_840, %dma_start3A_841] : memref<104x128xf32, #tpu.memory_space<vmem>> -> memref<96x128xf32, #tpu.memory_space<vmem>>
        %dma_start3A_843 = tpu.memref_slice %arg7[%add3A_839] : memref<6400xi32, #tpu.memory_space<vmem>> -> memref<96xi32, #tpu.memory_space<vmem>>
        %dma_start3A_844 = arith.constant 0 : i32
        %dma_start3A_845 = arith.constant 0 : i32
        %dma_start3A_846 = tpu.memref_slice %arg4[%dma_start3A_844, %dma_start3A_845] : memref<1000000x128xf32, #tpu.memory_space<hbm>> -> memref<1000000x128xf32, #tpu.memory_space<hbm>>
        tpu.enqueue_indirect_dma source(%dma_start3A_846 : memref<1000000x128xf32, #tpu.memory_space<hbm>>) target(%dma_start3A_842 : memref<96x128xf32, #tpu.memory_space<vmem>>) offsets(%dma_start3A_843 : memref<96xi32, #tpu.memory_space<vmem>>) semaphore(%arg21 : memref<!tpu.dma_semaphore, #tpu.memory_space<semaphore_mem>>) {add = true}
      } else {
      }
      %add3A_464 = arith.constant 4 : i32
      %add3A_465 = arith.addi %add3A_101, %add3A_464 : i32
      %jit3A_466 = arith.constant 2 : i32
      %div3A_467 = arith.divsi %add3A_101, %jit3A_466 : i32
      %sign3A_468 = arith.constant 0 : i32
      %sign3A_469 = arith.cmpi sgt, %add3A_101, %sign3A_468 : i32
      %sign3A_470 = arith.extui %sign3A_469 : i1 to i32
      %sign3A_471 = arith.constant 0 : i32
      %sign3A_472 = arith.cmpi slt, %add3A_101, %sign3A_471 : i32
      %sign3A_473 = arith.extui %sign3A_472 : i1 to i32
      %sign3A_474 = arith.subi %sign3A_470, %sign3A_473 : i32
      %sign3A_475 = arith.constant 0 : i32
      %sign3A_476 = arith.cmpi sgt, %jit3A_466, %sign3A_475 : i32
      %sign3A_477 = arith.extui %sign3A_476 : i1 to i32
      %sign3A_478 = arith.constant 0 : i32
      %sign3A_479 = arith.cmpi slt, %jit3A_466, %sign3A_478 : i32
      %sign3A_480 = arith.extui %sign3A_479 : i1 to i32
      %sign3A_481 = arith.subi %sign3A_477, %sign3A_480 : i32
      %ne3A_482 = arith.cmpi ne, %sign3A_474, %sign3A_481 : i32
      %rem3A_483 = arith.remsi %add3A_101, %jit3A_466 : i32
      %ne3A_484 = arith.constant 0 : i32
      %ne3A_485 = arith.cmpi ne, %rem3A_483, %ne3A_484 : i32
      %and3A_486 = arith.andi %ne3A_482, %ne3A_485 : i1
      %sub3A_487 = arith.constant 1 : i32
      %sub3A_488 = arith.subi %div3A_467, %sub3A_487 : i32
      %select_n3A_489 = arith.select %and3A_486, %sub3A_488, %div3A_467 : i32
      %add3A_490 = arith.constant 2 : i32
      %add3A_491 = arith.addi %select_n3A_489, %add3A_490 : i32
      %dma_wait3A_492 = arith.constant 0 : i32
      %dma_wait3A_493 = arith.constant 0 : i32
      %dma_wait3A_494 = tpu.memref_slice %arg12[%dma_wait3A_492, %dma_wait3A_493] : memref<104x128xf32, #tpu.memory_space<vmem>> -> memref<104x128xf32, #tpu.memory_space<vmem>>
      %dma_wait3A_495 = arith.constant 0 : i32
      %dma_wait3A_496 = arith.constant 0 : i32
      %dma_wait3A_497 = tpu.memref_slice %arg4[%dma_wait3A_495, %dma_wait3A_496] : memref<1000000x128xf32, #tpu.memory_space<hbm>> -> memref<104x128xf32, #tpu.memory_space<hbm>>
      %dma_wait3A_498 = arith.constant 0 : i32
      %dma_wait3A_499 = arith.constant 0 : i32
      %dma_wait3A_500 = tpu.memref_slice %arg12[%dma_wait3A_498, %dma_wait3A_499] : memref<104x128xf32, #tpu.memory_space<vmem>> -> memref<104x128xf32, #tpu.memory_space<vmem>>
      %dma_wait3A_501 = arith.constant 0 : i32
      %dma_wait3A_502 = arith.constant 0 : i32
      %dma_wait3A_503 = tpu.memref_slice %arg4[%dma_wait3A_501, %dma_wait3A_502] : memref<1000000x128xf32, #tpu.memory_space<hbm>> -> memref<104x128xf32, #tpu.memory_space<hbm>>
      tpu.wait_dma2 semaphore(%arg20 : memref<!tpu.dma_semaphore, #tpu.memory_space<semaphore_mem>>) src(%dma_wait3A_503 : memref<104x128xf32, #tpu.memory_space<hbm>>) dst(%dma_wait3A_500 : memref<104x128xf32, #tpu.memory_space<vmem>>)
      %add3A_504 = arith.addi %mul3A_2, %add3A_491 : i32
      %dma_start3A_505 = arith.constant 0 : i32
      %dma_start3A_506 = arith.constant 0 : i32
      %dma_start3A_507 = tpu.memref_slice %arg12[%dma_start3A_505, %dma_start3A_506] : memref<104x128xf32, #tpu.memory_space<vmem>> -> memref<104x128xf32, #tpu.memory_space<vmem>>
      %dma_start3A_508 = arith.constant 0 : i32
      %dma_start3A_509 = arith.constant 0 : i32
      %dma_start3A_510 = tpu.memref_slice %arg5[%add3A_504, %dma_start3A_508, %dma_start3A_509] : memref<1024x200x128xf32, #tpu.memory_space<hbm>> -> memref<1x104x128xf32, #tpu.memory_space<hbm>>
      %dma_start3A_511 = tpu.memref_squeeze %dma_start3A_510 : memref<1x104x128xf32, #tpu.memory_space<hbm>> -> memref<104x128xf32, #tpu.memory_space<hbm>>
      %dma_start3A_512 = arith.constant 0 : i32
      %dma_start3A_513 = arith.constant 0 : i32
      %dma_start3A_514 = tpu.memref_slice %arg5[%add3A_504, %dma_start3A_512, %dma_start3A_513] : memref<1024x200x128xf32, #tpu.memory_space<hbm>> -> memref<1x104x128xf32, #tpu.memory_space<hbm>>
      %dma_start3A_515 = tpu.memref_squeeze %dma_start3A_514 : memref<1x104x128xf32, #tpu.memory_space<hbm>> -> memref<104x128xf32, #tpu.memory_space<hbm>>
      %dma_start3A_516 = arith.constant 0 : i32
      %dma_start3A_517 = arith.constant 0 : i32
      %dma_start3A_518 = tpu.memref_slice %arg12[%dma_start3A_516, %dma_start3A_517] : memref<104x128xf32, #tpu.memory_space<vmem>> -> memref<104x128xf32, #tpu.memory_space<vmem>>
      tpu.enqueue_dma source(%dma_start3A_518 : memref<104x128xf32, #tpu.memory_space<vmem>>) target(%dma_start3A_515 : memref<104x128xf32, #tpu.memory_space<hbm>>) target_semaphore(%arg28 : memref<!tpu.dma_semaphore, #tpu.memory_space<semaphore_mem>>)
      %jit3A_519 = arith.constant 2 : i32
      %div3A_520 = arith.divsi %add3A_101, %jit3A_519 : i32
      %sign3A_521 = arith.constant 0 : i32
      %sign3A_522 = arith.cmpi sgt, %add3A_101, %sign3A_521 : i32
      %sign3A_523 = arith.extui %sign3A_522 : i1 to i32
      %sign3A_524 = arith.constant 0 : i32
      %sign3A_525 = arith.cmpi slt, %add3A_101, %sign3A_524 : i32
      %sign3A_526 = arith.extui %sign3A_525 : i1 to i32
      %sign3A_527 = arith.subi %sign3A_523, %sign3A_526 : i32
      %sign3A_528 = arith.constant 0 : i32
      %sign3A_529 = arith.cmpi sgt, %jit3A_519, %sign3A_528 : i32
      %sign3A_530 = arith.extui %sign3A_529 : i1 to i32
      %sign3A_531 = arith.constant 0 : i32
      %sign3A_532 = arith.cmpi slt, %jit3A_519, %sign3A_531 : i32
      %sign3A_533 = arith.extui %sign3A_532 : i1 to i32
      %sign3A_534 = arith.subi %sign3A_530, %sign3A_533 : i32
      %ne3A_535 = arith.cmpi ne, %sign3A_527, %sign3A_534 : i32
      %rem3A_536 = arith.remsi %add3A_101, %jit3A_519 : i32
      %ne3A_537 = arith.constant 0 : i32
      %ne3A_538 = arith.cmpi ne, %rem3A_536, %ne3A_537 : i32
      %and3A_539 = arith.andi %ne3A_535, %ne3A_538 : i1
      %sub3A_540 = arith.constant 1 : i32
      %sub3A_541 = arith.subi %div3A_520, %sub3A_540 : i32
      %select_n3A_542 = arith.select %and3A_539, %sub3A_541, %div3A_520 : i32
      %add3A_543 = arith.constant 3 : i32
      %add3A_544 = arith.addi %select_n3A_542, %add3A_543 : i32
      %ge3A_545 = arith.constant 6 : i32
      %ge3A_546 = arith.cmpi sge, %add3A_465, %ge3A_545 : i32
      %convert_element_type3A_547 = arith.extui %ge3A_546 : i1 to i32
      %cond3A_548 = arith.constant 0 : i32
      %cond3A_549 = arith.cmpi ne, %convert_element_type3A_547, %cond3A_548 : i32
      scf.if %cond3A_549 {
        %dma_wait3A_836 = arith.constant 0 : i32
        %dma_wait3A_837 = arith.constant 0 : i32
        %dma_wait3A_838 = tpu.memref_slice %arg14[%dma_wait3A_836, %dma_wait3A_837] : memref<104x128xf32, #tpu.memory_space<vmem>> -> memref<104x128xf32, #tpu.memory_space<vmem>>
        %dma_wait3A_839 = arith.constant 0 : i32
        %dma_wait3A_840 = arith.constant 0 : i32
        %dma_wait3A_841 = tpu.memref_slice %arg4[%dma_wait3A_839, %dma_wait3A_840] : memref<1000000x128xf32, #tpu.memory_space<hbm>> -> memref<104x128xf32, #tpu.memory_space<hbm>>
        %dma_wait3A_842 = arith.constant 0 : i32
        %dma_wait3A_843 = arith.constant 0 : i32
        %dma_wait3A_844 = tpu.memref_slice %arg14[%dma_wait3A_842, %dma_wait3A_843] : memref<104x128xf32, #tpu.memory_space<vmem>> -> memref<104x128xf32, #tpu.memory_space<vmem>>
        %dma_wait3A_845 = arith.constant 0 : i32
        %dma_wait3A_846 = arith.constant 0 : i32
        %dma_wait3A_847 = tpu.memref_slice %arg4[%dma_wait3A_845, %dma_wait3A_846] : memref<1000000x128xf32, #tpu.memory_space<hbm>> -> memref<104x128xf32, #tpu.memory_space<hbm>>
        tpu.wait_dma2 semaphore(%arg30 : memref<!tpu.dma_semaphore, #tpu.memory_space<semaphore_mem>>) src(%dma_wait3A_847 : memref<104x128xf32, #tpu.memory_space<hbm>>) dst(%dma_wait3A_844 : memref<104x128xf32, #tpu.memory_space<vmem>>)
      } else {
      }
      %add3A_550 = arith.constant 2 : i32
      %add3A_551 = arith.addi %add3A_465, %add3A_550 : i32
      %lt3A_552 = arith.constant 64 : i32
      %lt3A_553 = arith.cmpi slt, %add3A_551, %lt3A_552 : i32
      %convert_element_type3A_554 = arith.extui %lt3A_553 : i1 to i32
      %cond3A_555 = arith.constant 0 : i32
      %cond3A_556 = arith.cmpi ne, %convert_element_type3A_554, %cond3A_555 : i32
      scf.if %cond3A_556 {
        "tpu.region"() ({
          %run_scoped3A = tpu.sem_alloc : memref<!tpu.dma_semaphore, #tpu.memory_space<semaphore_mem>>
          %dma_start3A_847 = arith.constant 0 : i32
          %dma_start3A_848 = arith.constant 0 : i32
          %dma_start3A_849 = tpu.memref_slice %arg14[%dma_start3A_847, %dma_start3A_848] : memref<104x128xf32, #tpu.memory_space<vmem>> -> memref<104x128xf32, #tpu.memory_space<vmem>>
          %dma_start3A_850 = arith.constant 0 : i32
          %dma_start3A_851 = arith.constant 0 : i32
          %dma_start3A_852 = tpu.memref_slice %arg6[%dma_start3A_850, %dma_start3A_851] : memref<200x128xf32, #tpu.memory_space<vmem_shared>> -> memref<104x128xf32, #tpu.memory_space<vmem_shared>>
          %dma_start3A_853 = arith.constant 0 : i32
          %dma_start3A_854 = arith.constant 0 : i32
          %dma_start3A_855 = tpu.memref_slice %arg14[%dma_start3A_853, %dma_start3A_854] : memref<104x128xf32, #tpu.memory_space<vmem>> -> memref<104x128xf32, #tpu.memory_space<vmem>>
          %dma_start3A_856 = arith.constant 0 : i32
          %dma_start3A_857 = arith.constant 0 : i32
          %dma_start3A_858 = tpu.memref_slice %arg6[%dma_start3A_856, %dma_start3A_857] : memref<200x128xf32, #tpu.memory_space<vmem_shared>> -> memref<104x128xf32, #tpu.memory_space<vmem_shared>>
          tpu.enqueue_dma source(%dma_start3A_858 : memref<104x128xf32, #tpu.memory_space<vmem_shared>>) target(%dma_start3A_855 : memref<104x128xf32, #tpu.memory_space<vmem>>) target_semaphore(%run_scoped3A : memref<!tpu.dma_semaphore, #tpu.memory_space<semaphore_mem>>)
          %dma_wait3A_859 = arith.constant 0 : i32
          %dma_wait3A_860 = arith.constant 0 : i32
          %dma_wait3A_861 = tpu.memref_slice %arg14[%dma_wait3A_859, %dma_wait3A_860] : memref<104x128xf32, #tpu.memory_space<vmem>> -> memref<104x128xf32, #tpu.memory_space<vmem>>
          %dma_wait3A_862 = arith.constant 0 : i32
          %dma_wait3A_863 = arith.constant 0 : i32
          %dma_wait3A_864 = tpu.memref_slice %arg6[%dma_wait3A_862, %dma_wait3A_863] : memref<200x128xf32, #tpu.memory_space<vmem_shared>> -> memref<104x128xf32, #tpu.memory_space<vmem_shared>>
          %dma_wait3A_865 = arith.constant 0 : i32
          %dma_wait3A_866 = arith.constant 0 : i32
          %dma_wait3A_867 = tpu.memref_slice %arg14[%dma_wait3A_865, %dma_wait3A_866] : memref<104x128xf32, #tpu.memory_space<vmem>> -> memref<104x128xf32, #tpu.memory_space<vmem>>
          %dma_wait3A_868 = arith.constant 0 : i32
          %dma_wait3A_869 = arith.constant 0 : i32
          %dma_wait3A_870 = tpu.memref_slice %arg6[%dma_wait3A_868, %dma_wait3A_869] : memref<200x128xf32, #tpu.memory_space<vmem_shared>> -> memref<104x128xf32, #tpu.memory_space<vmem_shared>>
          tpu.wait_dma2 semaphore(%run_scoped3A : memref<!tpu.dma_semaphore, #tpu.memory_space<semaphore_mem>>) src(%dma_wait3A_870 : memref<104x128xf32, #tpu.memory_space<vmem_shared>>) dst(%dma_wait3A_867 : memref<104x128xf32, #tpu.memory_space<vmem>>)
          tpu.yield
        }) : () -> ()
        %mul3A_836 = arith.constant 200 : i32
        %mul3A_837 = arith.muli %add3A_544, %mul3A_836 : i32
        %add3A_838 = arith.constant 0 : i32
        %add3A_839 = arith.addi %mul3A_837, %add3A_838 : i32
        %dma_start3A_840 = arith.constant 0 : i32
        %dma_start3A_841 = arith.constant 0 : i32
        %dma_start3A_842 = tpu.memref_slice %arg14[%dma_start3A_840, %dma_start3A_841] : memref<104x128xf32, #tpu.memory_space<vmem>> -> memref<104x128xf32, #tpu.memory_space<vmem>>
        %dma_start3A_843 = tpu.memref_slice %arg7[%add3A_839] : memref<6400xi32, #tpu.memory_space<vmem>> -> memref<104xi32, #tpu.memory_space<vmem>>
        %dma_start3A_844 = arith.constant 0 : i32
        %dma_start3A_845 = arith.constant 0 : i32
        %dma_start3A_846 = tpu.memref_slice %arg4[%dma_start3A_844, %dma_start3A_845] : memref<1000000x128xf32, #tpu.memory_space<hbm>> -> memref<1000000x128xf32, #tpu.memory_space<hbm>>
        tpu.enqueue_indirect_dma source(%dma_start3A_846 : memref<1000000x128xf32, #tpu.memory_space<hbm>>) target(%dma_start3A_842 : memref<104x128xf32, #tpu.memory_space<vmem>>) offsets(%dma_start3A_843 : memref<104xi32, #tpu.memory_space<vmem>>) semaphore(%arg22 : memref<!tpu.dma_semaphore, #tpu.memory_space<semaphore_mem>>) {add = true}
      } else {
      }
      %add3A_557 = arith.constant 5 : i32
      %add3A_558 = arith.addi %add3A_101, %add3A_557 : i32
      %jit3A_559 = arith.constant 2 : i32
      %div3A_560 = arith.divsi %add3A_101, %jit3A_559 : i32
      %sign3A_561 = arith.constant 0 : i32
      %sign3A_562 = arith.cmpi sgt, %add3A_101, %sign3A_561 : i32
      %sign3A_563 = arith.extui %sign3A_562 : i1 to i32
      %sign3A_564 = arith.constant 0 : i32
      %sign3A_565 = arith.cmpi slt, %add3A_101, %sign3A_564 : i32
      %sign3A_566 = arith.extui %sign3A_565 : i1 to i32
      %sign3A_567 = arith.subi %sign3A_563, %sign3A_566 : i32
      %sign3A_568 = arith.constant 0 : i32
      %sign3A_569 = arith.cmpi sgt, %jit3A_559, %sign3A_568 : i32
      %sign3A_570 = arith.extui %sign3A_569 : i1 to i32
      %sign3A_571 = arith.constant 0 : i32
      %sign3A_572 = arith.cmpi slt, %jit3A_559, %sign3A_571 : i32
      %sign3A_573 = arith.extui %sign3A_572 : i1 to i32
      %sign3A_574 = arith.subi %sign3A_570, %sign3A_573 : i32
      %ne3A_575 = arith.cmpi ne, %sign3A_567, %sign3A_574 : i32
      %rem3A_576 = arith.remsi %add3A_101, %jit3A_559 : i32
      %ne3A_577 = arith.constant 0 : i32
      %ne3A_578 = arith.cmpi ne, %rem3A_576, %ne3A_577 : i32
      %and3A_579 = arith.andi %ne3A_575, %ne3A_578 : i1
      %sub3A_580 = arith.constant 1 : i32
      %sub3A_581 = arith.subi %div3A_560, %sub3A_580 : i32
      %select_n3A_582 = arith.select %and3A_579, %sub3A_581, %div3A_560 : i32
      %add3A_583 = arith.constant 2 : i32
      %add3A_584 = arith.addi %select_n3A_582, %add3A_583 : i32
      %dma_wait3A_585 = arith.constant 0 : i32
      %dma_wait3A_586 = arith.constant 0 : i32
      %dma_wait3A_587 = tpu.memref_slice %arg13[%dma_wait3A_585, %dma_wait3A_586] : memref<104x128xf32, #tpu.memory_space<vmem>> -> memref<96x128xf32, #tpu.memory_space<vmem>>
      %dma_wait3A_588 = arith.constant 0 : i32
      %dma_wait3A_589 = arith.constant 0 : i32
      %dma_wait3A_590 = tpu.memref_slice %arg4[%dma_wait3A_588, %dma_wait3A_589] : memref<1000000x128xf32, #tpu.memory_space<hbm>> -> memref<96x128xf32, #tpu.memory_space<hbm>>
      %dma_wait3A_591 = arith.constant 0 : i32
      %dma_wait3A_592 = arith.constant 0 : i32
      %dma_wait3A_593 = tpu.memref_slice %arg13[%dma_wait3A_591, %dma_wait3A_592] : memref<104x128xf32, #tpu.memory_space<vmem>> -> memref<96x128xf32, #tpu.memory_space<vmem>>
      %dma_wait3A_594 = arith.constant 0 : i32
      %dma_wait3A_595 = arith.constant 0 : i32
      %dma_wait3A_596 = tpu.memref_slice %arg4[%dma_wait3A_594, %dma_wait3A_595] : memref<1000000x128xf32, #tpu.memory_space<hbm>> -> memref<96x128xf32, #tpu.memory_space<hbm>>
      tpu.wait_dma2 semaphore(%arg21 : memref<!tpu.dma_semaphore, #tpu.memory_space<semaphore_mem>>) src(%dma_wait3A_596 : memref<96x128xf32, #tpu.memory_space<hbm>>) dst(%dma_wait3A_593 : memref<96x128xf32, #tpu.memory_space<vmem>>)
      %add3A_597 = arith.addi %mul3A_2, %add3A_584 : i32
      %dma_start3A_598 = arith.constant 0 : i32
      %dma_start3A_599 = arith.constant 0 : i32
      %dma_start3A_600 = tpu.memref_slice %arg13[%dma_start3A_598, %dma_start3A_599] : memref<104x128xf32, #tpu.memory_space<vmem>> -> memref<96x128xf32, #tpu.memory_space<vmem>>
      %dma_start3A_601 = arith.constant 104 : i32
      %dma_start3A_602 = arith.constant 0 : i32
      %dma_start3A_603 = tpu.memref_slice %arg5[%add3A_597, %dma_start3A_601, %dma_start3A_602] : memref<1024x200x128xf32, #tpu.memory_space<hbm>> -> memref<1x96x128xf32, #tpu.memory_space<hbm>>
      %dma_start3A_604 = tpu.memref_squeeze %dma_start3A_603 : memref<1x96x128xf32, #tpu.memory_space<hbm>> -> memref<96x128xf32, #tpu.memory_space<hbm>>
      %dma_start3A_605 = arith.constant 104 : i32
      %dma_start3A_606 = arith.constant 0 : i32
      %dma_start3A_607 = tpu.memref_slice %arg5[%add3A_597, %dma_start3A_605, %dma_start3A_606] : memref<1024x200x128xf32, #tpu.memory_space<hbm>> -> memref<1x96x128xf32, #tpu.memory_space<hbm>>
      %dma_start3A_608 = tpu.memref_squeeze %dma_start3A_607 : memref<1x96x128xf32, #tpu.memory_space<hbm>> -> memref<96x128xf32, #tpu.memory_space<hbm>>
      %dma_start3A_609 = arith.constant 0 : i32
      %dma_start3A_610 = arith.constant 0 : i32
      %dma_start3A_611 = tpu.memref_slice %arg13[%dma_start3A_609, %dma_start3A_610] : memref<104x128xf32, #tpu.memory_space<vmem>> -> memref<96x128xf32, #tpu.memory_space<vmem>>
      tpu.enqueue_dma source(%dma_start3A_611 : memref<96x128xf32, #tpu.memory_space<vmem>>) target(%dma_start3A_608 : memref<96x128xf32, #tpu.memory_space<hbm>>) target_semaphore(%arg29 : memref<!tpu.dma_semaphore, #tpu.memory_space<semaphore_mem>>)
      %jit3A_612 = arith.constant 2 : i32
      %div3A_613 = arith.divsi %add3A_101, %jit3A_612 : i32
      %sign3A_614 = arith.constant 0 : i32
      %sign3A_615 = arith.cmpi sgt, %add3A_101, %sign3A_614 : i32
      %sign3A_616 = arith.extui %sign3A_615 : i1 to i32
      %sign3A_617 = arith.constant 0 : i32
      %sign3A_618 = arith.cmpi slt, %add3A_101, %sign3A_617 : i32
      %sign3A_619 = arith.extui %sign3A_618 : i1 to i32
      %sign3A_620 = arith.subi %sign3A_616, %sign3A_619 : i32
      %sign3A_621 = arith.constant 0 : i32
      %sign3A_622 = arith.cmpi sgt, %jit3A_612, %sign3A_621 : i32
      %sign3A_623 = arith.extui %sign3A_622 : i1 to i32
      %sign3A_624 = arith.constant 0 : i32
      %sign3A_625 = arith.cmpi slt, %jit3A_612, %sign3A_624 : i32
      %sign3A_626 = arith.extui %sign3A_625 : i1 to i32
      %sign3A_627 = arith.subi %sign3A_623, %sign3A_626 : i32
      %ne3A_628 = arith.cmpi ne, %sign3A_620, %sign3A_627 : i32
      %rem3A_629 = arith.remsi %add3A_101, %jit3A_612 : i32
      %ne3A_630 = arith.constant 0 : i32
      %ne3A_631 = arith.cmpi ne, %rem3A_629, %ne3A_630 : i32
      %and3A_632 = arith.andi %ne3A_628, %ne3A_631 : i1
      %sub3A_633 = arith.constant 1 : i32
      %sub3A_634 = arith.subi %div3A_613, %sub3A_633 : i32
      %select_n3A_635 = arith.select %and3A_632, %sub3A_634, %div3A_613 : i32
      %add3A_636 = arith.constant 3 : i32
      %add3A_637 = arith.addi %select_n3A_635, %add3A_636 : i32
      %ge3A_638 = arith.constant 6 : i32
      %ge3A_639 = arith.cmpi sge, %add3A_558, %ge3A_638 : i32
      %convert_element_type3A_640 = arith.extui %ge3A_639 : i1 to i32
      %cond3A_641 = arith.constant 0 : i32
      %cond3A_642 = arith.cmpi ne, %convert_element_type3A_640, %cond3A_641 : i32
      scf.if %cond3A_642 {
        %dma_wait3A_836 = arith.constant 0 : i32
        %dma_wait3A_837 = arith.constant 0 : i32
        %dma_wait3A_838 = tpu.memref_slice %arg15[%dma_wait3A_836, %dma_wait3A_837] : memref<104x128xf32, #tpu.memory_space<vmem>> -> memref<96x128xf32, #tpu.memory_space<vmem>>
        %dma_wait3A_839 = arith.constant 0 : i32
        %dma_wait3A_840 = arith.constant 0 : i32
        %dma_wait3A_841 = tpu.memref_slice %arg4[%dma_wait3A_839, %dma_wait3A_840] : memref<1000000x128xf32, #tpu.memory_space<hbm>> -> memref<96x128xf32, #tpu.memory_space<hbm>>
        %dma_wait3A_842 = arith.constant 0 : i32
        %dma_wait3A_843 = arith.constant 0 : i32
        %dma_wait3A_844 = tpu.memref_slice %arg15[%dma_wait3A_842, %dma_wait3A_843] : memref<104x128xf32, #tpu.memory_space<vmem>> -> memref<96x128xf32, #tpu.memory_space<vmem>>
        %dma_wait3A_845 = arith.constant 0 : i32
        %dma_wait3A_846 = arith.constant 0 : i32
        %dma_wait3A_847 = tpu.memref_slice %arg4[%dma_wait3A_845, %dma_wait3A_846] : memref<1000000x128xf32, #tpu.memory_space<hbm>> -> memref<96x128xf32, #tpu.memory_space<hbm>>
        tpu.wait_dma2 semaphore(%arg31 : memref<!tpu.dma_semaphore, #tpu.memory_space<semaphore_mem>>) src(%dma_wait3A_847 : memref<96x128xf32, #tpu.memory_space<hbm>>) dst(%dma_wait3A_844 : memref<96x128xf32, #tpu.memory_space<vmem>>)
      } else {
      }
      %add3A_643 = arith.constant 2 : i32
      %add3A_644 = arith.addi %add3A_558, %add3A_643 : i32
      %lt3A_645 = arith.constant 64 : i32
      %lt3A_646 = arith.cmpi slt, %add3A_644, %lt3A_645 : i32
      %convert_element_type3A_647 = arith.extui %lt3A_646 : i1 to i32
      %cond3A_648 = arith.constant 0 : i32
      %cond3A_649 = arith.cmpi ne, %convert_element_type3A_647, %cond3A_648 : i32
      scf.if %cond3A_649 {
        "tpu.region"() ({
          %run_scoped3A = tpu.sem_alloc : memref<!tpu.dma_semaphore, #tpu.memory_space<semaphore_mem>>
          %dma_start3A_847 = arith.constant 0 : i32
          %dma_start3A_848 = arith.constant 0 : i32
          %dma_start3A_849 = tpu.memref_slice %arg15[%dma_start3A_847, %dma_start3A_848] : memref<104x128xf32, #tpu.memory_space<vmem>> -> memref<96x128xf32, #tpu.memory_space<vmem>>
          %dma_start3A_850 = arith.constant 104 : i32
          %dma_start3A_851 = arith.constant 0 : i32
          %dma_start3A_852 = tpu.memref_slice %arg6[%dma_start3A_850, %dma_start3A_851] : memref<200x128xf32, #tpu.memory_space<vmem_shared>> -> memref<96x128xf32, #tpu.memory_space<vmem_shared>>
          %dma_start3A_853 = arith.constant 0 : i32
          %dma_start3A_854 = arith.constant 0 : i32
          %dma_start3A_855 = tpu.memref_slice %arg15[%dma_start3A_853, %dma_start3A_854] : memref<104x128xf32, #tpu.memory_space<vmem>> -> memref<96x128xf32, #tpu.memory_space<vmem>>
          %dma_start3A_856 = arith.constant 104 : i32
          %dma_start3A_857 = arith.constant 0 : i32
          %dma_start3A_858 = tpu.memref_slice %arg6[%dma_start3A_856, %dma_start3A_857] : memref<200x128xf32, #tpu.memory_space<vmem_shared>> -> memref<96x128xf32, #tpu.memory_space<vmem_shared>>
          tpu.enqueue_dma source(%dma_start3A_858 : memref<96x128xf32, #tpu.memory_space<vmem_shared>>) target(%dma_start3A_855 : memref<96x128xf32, #tpu.memory_space<vmem>>) target_semaphore(%run_scoped3A : memref<!tpu.dma_semaphore, #tpu.memory_space<semaphore_mem>>)
          %dma_wait3A_859 = arith.constant 0 : i32
          %dma_wait3A_860 = arith.constant 0 : i32
          %dma_wait3A_861 = tpu.memref_slice %arg15[%dma_wait3A_859, %dma_wait3A_860] : memref<104x128xf32, #tpu.memory_space<vmem>> -> memref<96x128xf32, #tpu.memory_space<vmem>>
          %dma_wait3A_862 = arith.constant 104 : i32
          %dma_wait3A_863 = arith.constant 0 : i32
          %dma_wait3A_864 = tpu.memref_slice %arg6[%dma_wait3A_862, %dma_wait3A_863] : memref<200x128xf32, #tpu.memory_space<vmem_shared>> -> memref<96x128xf32, #tpu.memory_space<vmem_shared>>
          %dma_wait3A_865 = arith.constant 0 : i32
          %dma_wait3A_866 = arith.constant 0 : i32
          %dma_wait3A_867 = tpu.memref_slice %arg15[%dma_wait3A_865, %dma_wait3A_866] : memref<104x128xf32, #tpu.memory_space<vmem>> -> memref<96x128xf32, #tpu.memory_space<vmem>>
          %dma_wait3A_868 = arith.constant 104 : i32
          %dma_wait3A_869 = arith.constant 0 : i32
          %dma_wait3A_870 = tpu.memref_slice %arg6[%dma_wait3A_868, %dma_wait3A_869] : memref<200x128xf32, #tpu.memory_space<vmem_shared>> -> memref<96x128xf32, #tpu.memory_space<vmem_shared>>
          tpu.wait_dma2 semaphore(%run_scoped3A : memref<!tpu.dma_semaphore, #tpu.memory_space<semaphore_mem>>) src(%dma_wait3A_870 : memref<96x128xf32, #tpu.memory_space<vmem_shared>>) dst(%dma_wait3A_867 : memref<96x128xf32, #tpu.memory_space<vmem>>)
          tpu.yield
        }) : () -> ()
        %mul3A_836 = arith.constant 200 : i32
        %mul3A_837 = arith.muli %add3A_637, %mul3A_836 : i32
        %add3A_838 = arith.constant 104 : i32
        %add3A_839 = arith.addi %mul3A_837, %add3A_838 : i32
        %dma_start3A_840 = arith.constant 0 : i32
        %dma_start3A_841 = arith.constant 0 : i32
        %dma_start3A_842 = tpu.memref_slice %arg15[%dma_start3A_840, %dma_start3A_841] : memref<104x128xf32, #tpu.memory_space<vmem>> -> memref<96x128xf32, #tpu.memory_space<vmem>>
        %dma_start3A_843 = tpu.memref_slice %arg7[%add3A_839] : memref<6400xi32, #tpu.memory_space<vmem>> -> memref<96xi32, #tpu.memory_space<vmem>>
        %dma_start3A_844 = arith.constant 0 : i32
        %dma_start3A_845 = arith.constant 0 : i32
        %dma_start3A_846 = tpu.memref_slice %arg4[%dma_start3A_844, %dma_start3A_845] : memref<1000000x128xf32, #tpu.memory_space<hbm>> -> memref<1000000x128xf32, #tpu.memory_space<hbm>>
        tpu.enqueue_indirect_dma source(%dma_start3A_846 : memref<1000000x128xf32, #tpu.memory_space<hbm>>) target(%dma_start3A_842 : memref<96x128xf32, #tpu.memory_space<vmem>>) offsets(%dma_start3A_843 : memref<96xi32, #tpu.memory_space<vmem>>) semaphore(%arg23 : memref<!tpu.dma_semaphore, #tpu.memory_space<semaphore_mem>>) {add = true}
      } else {
      }
      %add3A_650 = arith.constant 6 : i32
      %add3A_651 = arith.addi %add3A_101, %add3A_650 : i32
      %jit3A_652 = arith.constant 2 : i32
      %div3A_653 = arith.divsi %add3A_101, %jit3A_652 : i32
      %sign3A_654 = arith.constant 0 : i32
      %sign3A_655 = arith.cmpi sgt, %add3A_101, %sign3A_654 : i32
      %sign3A_656 = arith.extui %sign3A_655 : i1 to i32
      %sign3A_657 = arith.constant 0 : i32
      %sign3A_658 = arith.cmpi slt, %add3A_101, %sign3A_657 : i32
      %sign3A_659 = arith.extui %sign3A_658 : i1 to i32
      %sign3A_660 = arith.subi %sign3A_656, %sign3A_659 : i32
      %sign3A_661 = arith.constant 0 : i32
      %sign3A_662 = arith.cmpi sgt, %jit3A_652, %sign3A_661 : i32
      %sign3A_663 = arith.extui %sign3A_662 : i1 to i32
      %sign3A_664 = arith.constant 0 : i32
      %sign3A_665 = arith.cmpi slt, %jit3A_652, %sign3A_664 : i32
      %sign3A_666 = arith.extui %sign3A_665 : i1 to i32
      %sign3A_667 = arith.subi %sign3A_663, %sign3A_666 : i32
      %ne3A_668 = arith.cmpi ne, %sign3A_660, %sign3A_667 : i32
      %rem3A_669 = arith.remsi %add3A_101, %jit3A_652 : i32
      %ne3A_670 = arith.constant 0 : i32
      %ne3A_671 = arith.cmpi ne, %rem3A_669, %ne3A_670 : i32
      %and3A_672 = arith.andi %ne3A_668, %ne3A_671 : i1
      %sub3A_673 = arith.constant 1 : i32
      %sub3A_674 = arith.subi %div3A_653, %sub3A_673 : i32
      %select_n3A_675 = arith.select %and3A_672, %sub3A_674, %div3A_653 : i32
      %add3A_676 = arith.constant 3 : i32
      %add3A_677 = arith.addi %select_n3A_675, %add3A_676 : i32
      %dma_wait3A_678 = arith.constant 0 : i32
      %dma_wait3A_679 = arith.constant 0 : i32
      %dma_wait3A_680 = tpu.memref_slice %arg14[%dma_wait3A_678, %dma_wait3A_679] : memref<104x128xf32, #tpu.memory_space<vmem>> -> memref<104x128xf32, #tpu.memory_space<vmem>>
      %dma_wait3A_681 = arith.constant 0 : i32
      %dma_wait3A_682 = arith.constant 0 : i32
      %dma_wait3A_683 = tpu.memref_slice %arg4[%dma_wait3A_681, %dma_wait3A_682] : memref<1000000x128xf32, #tpu.memory_space<hbm>> -> memref<104x128xf32, #tpu.memory_space<hbm>>
      %dma_wait3A_684 = arith.constant 0 : i32
      %dma_wait3A_685 = arith.constant 0 : i32
      %dma_wait3A_686 = tpu.memref_slice %arg14[%dma_wait3A_684, %dma_wait3A_685] : memref<104x128xf32, #tpu.memory_space<vmem>> -> memref<104x128xf32, #tpu.memory_space<vmem>>
      %dma_wait3A_687 = arith.constant 0 : i32
      %dma_wait3A_688 = arith.constant 0 : i32
      %dma_wait3A_689 = tpu.memref_slice %arg4[%dma_wait3A_687, %dma_wait3A_688] : memref<1000000x128xf32, #tpu.memory_space<hbm>> -> memref<104x128xf32, #tpu.memory_space<hbm>>
      tpu.wait_dma2 semaphore(%arg22 : memref<!tpu.dma_semaphore, #tpu.memory_space<semaphore_mem>>) src(%dma_wait3A_689 : memref<104x128xf32, #tpu.memory_space<hbm>>) dst(%dma_wait3A_686 : memref<104x128xf32, #tpu.memory_space<vmem>>)
      %add3A_690 = arith.addi %mul3A_2, %add3A_677 : i32
      %dma_start3A_691 = arith.constant 0 : i32
      %dma_start3A_692 = arith.constant 0 : i32
      %dma_start3A_693 = tpu.memref_slice %arg14[%dma_start3A_691, %dma_start3A_692] : memref<104x128xf32, #tpu.memory_space<vmem>> -> memref<104x128xf32, #tpu.memory_space<vmem>>
      %dma_start3A_694 = arith.constant 0 : i32
      %dma_start3A_695 = arith.constant 0 : i32
      %dma_start3A_696 = tpu.memref_slice %arg5[%add3A_690, %dma_start3A_694, %dma_start3A_695] : memref<1024x200x128xf32, #tpu.memory_space<hbm>> -> memref<1x104x128xf32, #tpu.memory_space<hbm>>
      %dma_start3A_697 = tpu.memref_squeeze %dma_start3A_696 : memref<1x104x128xf32, #tpu.memory_space<hbm>> -> memref<104x128xf32, #tpu.memory_space<hbm>>
      %dma_start3A_698 = arith.constant 0 : i32
      %dma_start3A_699 = arith.constant 0 : i32
      %dma_start3A_700 = tpu.memref_slice %arg5[%add3A_690, %dma_start3A_698, %dma_start3A_699] : memref<1024x200x128xf32, #tpu.memory_space<hbm>> -> memref<1x104x128xf32, #tpu.memory_space<hbm>>
      %dma_start3A_701 = tpu.memref_squeeze %dma_start3A_700 : memref<1x104x128xf32, #tpu.memory_space<hbm>> -> memref<104x128xf32, #tpu.memory_space<hbm>>
      %dma_start3A_702 = arith.constant 0 : i32
      %dma_start3A_703 = arith.constant 0 : i32
      %dma_start3A_704 = tpu.memref_slice %arg14[%dma_start3A_702, %dma_start3A_703] : memref<104x128xf32, #tpu.memory_space<vmem>> -> memref<104x128xf32, #tpu.memory_space<vmem>>
      tpu.enqueue_dma source(%dma_start3A_704 : memref<104x128xf32, #tpu.memory_space<vmem>>) target(%dma_start3A_701 : memref<104x128xf32, #tpu.memory_space<hbm>>) target_semaphore(%arg30 : memref<!tpu.dma_semaphore, #tpu.memory_space<semaphore_mem>>)
      %jit3A_705 = arith.constant 2 : i32
      %div3A_706 = arith.divsi %add3A_101, %jit3A_705 : i32
      %sign3A_707 = arith.constant 0 : i32
      %sign3A_708 = arith.cmpi sgt, %add3A_101, %sign3A_707 : i32
      %sign3A_709 = arith.extui %sign3A_708 : i1 to i32
      %sign3A_710 = arith.constant 0 : i32
      %sign3A_711 = arith.cmpi slt, %add3A_101, %sign3A_710 : i32
      %sign3A_712 = arith.extui %sign3A_711 : i1 to i32
      %sign3A_713 = arith.subi %sign3A_709, %sign3A_712 : i32
      %sign3A_714 = arith.constant 0 : i32
      %sign3A_715 = arith.cmpi sgt, %jit3A_705, %sign3A_714 : i32
      %sign3A_716 = arith.extui %sign3A_715 : i1 to i32
      %sign3A_717 = arith.constant 0 : i32
      %sign3A_718 = arith.cmpi slt, %jit3A_705, %sign3A_717 : i32
      %sign3A_719 = arith.extui %sign3A_718 : i1 to i32
      %sign3A_720 = arith.subi %sign3A_716, %sign3A_719 : i32
      %ne3A_721 = arith.cmpi ne, %sign3A_713, %sign3A_720 : i32
      %rem3A_722 = arith.remsi %add3A_101, %jit3A_705 : i32
      %ne3A_723 = arith.constant 0 : i32
      %ne3A_724 = arith.cmpi ne, %rem3A_722, %ne3A_723 : i32
      %and3A_725 = arith.andi %ne3A_721, %ne3A_724 : i1
      %sub3A_726 = arith.constant 1 : i32
      %sub3A_727 = arith.subi %div3A_706, %sub3A_726 : i32
      %select_n3A_728 = arith.select %and3A_725, %sub3A_727, %div3A_706 : i32
      %add3A_729 = arith.constant 4 : i32
      %add3A_730 = arith.addi %select_n3A_728, %add3A_729 : i32
      %ge3A_731 = arith.constant 6 : i32
      %ge3A_732 = arith.cmpi sge, %add3A_651, %ge3A_731 : i32
      %convert_element_type3A_733 = arith.extui %ge3A_732 : i1 to i32
      %cond3A_734 = arith.constant 0 : i32
      %cond3A_735 = arith.cmpi ne, %convert_element_type3A_733, %cond3A_734 : i32
      scf.if %cond3A_735 {
        %dma_wait3A_836 = arith.constant 0 : i32
        %dma_wait3A_837 = arith.constant 0 : i32
        %dma_wait3A_838 = tpu.memref_slice %arg8[%dma_wait3A_836, %dma_wait3A_837] : memref<104x128xf32, #tpu.memory_space<vmem>> -> memref<104x128xf32, #tpu.memory_space<vmem>>
        %dma_wait3A_839 = arith.constant 0 : i32
        %dma_wait3A_840 = arith.constant 0 : i32
        %dma_wait3A_841 = tpu.memref_slice %arg4[%dma_wait3A_839, %dma_wait3A_840] : memref<1000000x128xf32, #tpu.memory_space<hbm>> -> memref<104x128xf32, #tpu.memory_space<hbm>>
        %dma_wait3A_842 = arith.constant 0 : i32
        %dma_wait3A_843 = arith.constant 0 : i32
        %dma_wait3A_844 = tpu.memref_slice %arg8[%dma_wait3A_842, %dma_wait3A_843] : memref<104x128xf32, #tpu.memory_space<vmem>> -> memref<104x128xf32, #tpu.memory_space<vmem>>
        %dma_wait3A_845 = arith.constant 0 : i32
        %dma_wait3A_846 = arith.constant 0 : i32
        %dma_wait3A_847 = tpu.memref_slice %arg4[%dma_wait3A_845, %dma_wait3A_846] : memref<1000000x128xf32, #tpu.memory_space<hbm>> -> memref<104x128xf32, #tpu.memory_space<hbm>>
        tpu.wait_dma2 semaphore(%arg24 : memref<!tpu.dma_semaphore, #tpu.memory_space<semaphore_mem>>) src(%dma_wait3A_847 : memref<104x128xf32, #tpu.memory_space<hbm>>) dst(%dma_wait3A_844 : memref<104x128xf32, #tpu.memory_space<vmem>>)
      } else {
      }
      %add3A_736 = arith.constant 2 : i32
      %add3A_737 = arith.addi %add3A_651, %add3A_736 : i32
      %lt3A_738 = arith.constant 64 : i32
      %lt3A_739 = arith.cmpi slt, %add3A_737, %lt3A_738 : i32
      %convert_element_type3A_740 = arith.extui %lt3A_739 : i1 to i32
      %cond3A_741 = arith.constant 0 : i32
      %cond3A_742 = arith.cmpi ne, %convert_element_type3A_740, %cond3A_741 : i32
      scf.if %cond3A_742 {
        "tpu.region"() ({
          %run_scoped3A = tpu.sem_alloc : memref<!tpu.dma_semaphore, #tpu.memory_space<semaphore_mem>>
          %dma_start3A_847 = arith.constant 0 : i32
          %dma_start3A_848 = arith.constant 0 : i32
          %dma_start3A_849 = tpu.memref_slice %arg8[%dma_start3A_847, %dma_start3A_848] : memref<104x128xf32, #tpu.memory_space<vmem>> -> memref<104x128xf32, #tpu.memory_space<vmem>>
          %dma_start3A_850 = arith.constant 0 : i32
          %dma_start3A_851 = arith.constant 0 : i32
          %dma_start3A_852 = tpu.memref_slice %arg6[%dma_start3A_850, %dma_start3A_851] : memref<200x128xf32, #tpu.memory_space<vmem_shared>> -> memref<104x128xf32, #tpu.memory_space<vmem_shared>>
          %dma_start3A_853 = arith.constant 0 : i32
          %dma_start3A_854 = arith.constant 0 : i32
          %dma_start3A_855 = tpu.memref_slice %arg8[%dma_start3A_853, %dma_start3A_854] : memref<104x128xf32, #tpu.memory_space<vmem>> -> memref<104x128xf32, #tpu.memory_space<vmem>>
          %dma_start3A_856 = arith.constant 0 : i32
          %dma_start3A_857 = arith.constant 0 : i32
          %dma_start3A_858 = tpu.memref_slice %arg6[%dma_start3A_856, %dma_start3A_857] : memref<200x128xf32, #tpu.memory_space<vmem_shared>> -> memref<104x128xf32, #tpu.memory_space<vmem_shared>>
          tpu.enqueue_dma source(%dma_start3A_858 : memref<104x128xf32, #tpu.memory_space<vmem_shared>>) target(%dma_start3A_855 : memref<104x128xf32, #tpu.memory_space<vmem>>) target_semaphore(%run_scoped3A : memref<!tpu.dma_semaphore, #tpu.memory_space<semaphore_mem>>)
          %dma_wait3A_859 = arith.constant 0 : i32
          %dma_wait3A_860 = arith.constant 0 : i32
          %dma_wait3A_861 = tpu.memref_slice %arg8[%dma_wait3A_859, %dma_wait3A_860] : memref<104x128xf32, #tpu.memory_space<vmem>> -> memref<104x128xf32, #tpu.memory_space<vmem>>
          %dma_wait3A_862 = arith.constant 0 : i32
          %dma_wait3A_863 = arith.constant 0 : i32
          %dma_wait3A_864 = tpu.memref_slice %arg6[%dma_wait3A_862, %dma_wait3A_863] : memref<200x128xf32, #tpu.memory_space<vmem_shared>> -> memref<104x128xf32, #tpu.memory_space<vmem_shared>>
          %dma_wait3A_865 = arith.constant 0 : i32
          %dma_wait3A_866 = arith.constant 0 : i32
          %dma_wait3A_867 = tpu.memref_slice %arg8[%dma_wait3A_865, %dma_wait3A_866] : memref<104x128xf32, #tpu.memory_space<vmem>> -> memref<104x128xf32, #tpu.memory_space<vmem>>
          %dma_wait3A_868 = arith.constant 0 : i32
          %dma_wait3A_869 = arith.constant 0 : i32
          %dma_wait3A_870 = tpu.memref_slice %arg6[%dma_wait3A_868, %dma_wait3A_869] : memref<200x128xf32, #tpu.memory_space<vmem_shared>> -> memref<104x128xf32, #tpu.memory_space<vmem_shared>>
          tpu.wait_dma2 semaphore(%run_scoped3A : memref<!tpu.dma_semaphore, #tpu.memory_space<semaphore_mem>>) src(%dma_wait3A_870 : memref<104x128xf32, #tpu.memory_space<vmem_shared>>) dst(%dma_wait3A_867 : memref<104x128xf32, #tpu.memory_space<vmem>>)
          tpu.yield
        }) : () -> ()
        %mul3A_836 = arith.constant 200 : i32
        %mul3A_837 = arith.muli %add3A_730, %mul3A_836 : i32
        %add3A_838 = arith.constant 0 : i32
        %add3A_839 = arith.addi %mul3A_837, %add3A_838 : i32
        %dma_start3A_840 = arith.constant 0 : i32
        %dma_start3A_841 = arith.constant 0 : i32
        %dma_start3A_842 = tpu.memref_slice %arg8[%dma_start3A_840, %dma_start3A_841] : memref<104x128xf32, #tpu.memory_space<vmem>> -> memref<104x128xf32, #tpu.memory_space<vmem>>
        %dma_start3A_843 = tpu.memref_slice %arg7[%add3A_839] : memref<6400xi32, #tpu.memory_space<vmem>> -> memref<104xi32, #tpu.memory_space<vmem>>
        %dma_start3A_844 = arith.constant 0 : i32
        %dma_start3A_845 = arith.constant 0 : i32
        %dma_start3A_846 = tpu.memref_slice %arg4[%dma_start3A_844, %dma_start3A_845] : memref<1000000x128xf32, #tpu.memory_space<hbm>> -> memref<1000000x128xf32, #tpu.memory_space<hbm>>
        tpu.enqueue_indirect_dma source(%dma_start3A_846 : memref<1000000x128xf32, #tpu.memory_space<hbm>>) target(%dma_start3A_842 : memref<104x128xf32, #tpu.memory_space<vmem>>) offsets(%dma_start3A_843 : memref<104xi32, #tpu.memory_space<vmem>>) semaphore(%arg16 : memref<!tpu.dma_semaphore, #tpu.memory_space<semaphore_mem>>) {add = true}
      } else {
      }
      %add3A_743 = arith.constant 7 : i32
      %add3A_744 = arith.addi %add3A_101, %add3A_743 : i32
      %jit3A_745 = arith.constant 2 : i32
      %div3A_746 = arith.divsi %add3A_101, %jit3A_745 : i32
      %sign3A_747 = arith.constant 0 : i32
      %sign3A_748 = arith.cmpi sgt, %add3A_101, %sign3A_747 : i32
      %sign3A_749 = arith.extui %sign3A_748 : i1 to i32
      %sign3A_750 = arith.constant 0 : i32
      %sign3A_751 = arith.cmpi slt, %add3A_101, %sign3A_750 : i32
      %sign3A_752 = arith.extui %sign3A_751 : i1 to i32
      %sign3A_753 = arith.subi %sign3A_749, %sign3A_752 : i32
      %sign3A_754 = arith.constant 0 : i32
      %sign3A_755 = arith.cmpi sgt, %jit3A_745, %sign3A_754 : i32
      %sign3A_756 = arith.extui %sign3A_755 : i1 to i32
      %sign3A_757 = arith.constant 0 : i32
      %sign3A_758 = arith.cmpi slt, %jit3A_745, %sign3A_757 : i32
      %sign3A_759 = arith.extui %sign3A_758 : i1 to i32
      %sign3A_760 = arith.subi %sign3A_756, %sign3A_759 : i32
      %ne3A_761 = arith.cmpi ne, %sign3A_753, %sign3A_760 : i32
      %rem3A_762 = arith.remsi %add3A_101, %jit3A_745 : i32
      %ne3A_763 = arith.constant 0 : i32
      %ne3A_764 = arith.cmpi ne, %rem3A_762, %ne3A_763 : i32
      %and3A_765 = arith.andi %ne3A_761, %ne3A_764 : i1
      %sub3A_766 = arith.constant 1 : i32
      %sub3A_767 = arith.subi %div3A_746, %sub3A_766 : i32
      %select_n3A_768 = arith.select %and3A_765, %sub3A_767, %div3A_746 : i32
      %add3A_769 = arith.constant 3 : i32
      %add3A_770 = arith.addi %select_n3A_768, %add3A_769 : i32
      %dma_wait3A_771 = arith.constant 0 : i32
      %dma_wait3A_772 = arith.constant 0 : i32
      %dma_wait3A_773 = tpu.memref_slice %arg15[%dma_wait3A_771, %dma_wait3A_772] : memref<104x128xf32, #tpu.memory_space<vmem>> -> memref<96x128xf32, #tpu.memory_space<vmem>>
      %dma_wait3A_774 = arith.constant 0 : i32
      %dma_wait3A_775 = arith.constant 0 : i32
      %dma_wait3A_776 = tpu.memref_slice %arg4[%dma_wait3A_774, %dma_wait3A_775] : memref<1000000x128xf32, #tpu.memory_space<hbm>> -> memref<96x128xf32, #tpu.memory_space<hbm>>
      %dma_wait3A_777 = arith.constant 0 : i32
      %dma_wait3A_778 = arith.constant 0 : i32
      %dma_wait3A_779 = tpu.memref_slice %arg15[%dma_wait3A_777, %dma_wait3A_778] : memref<104x128xf32, #tpu.memory_space<vmem>> -> memref<96x128xf32, #tpu.memory_space<vmem>>
      %dma_wait3A_780 = arith.constant 0 : i32
      %dma_wait3A_781 = arith.constant 0 : i32
      %dma_wait3A_782 = tpu.memref_slice %arg4[%dma_wait3A_780, %dma_wait3A_781] : memref<1000000x128xf32, #tpu.memory_space<hbm>> -> memref<96x128xf32, #tpu.memory_space<hbm>>
      tpu.wait_dma2 semaphore(%arg23 : memref<!tpu.dma_semaphore, #tpu.memory_space<semaphore_mem>>) src(%dma_wait3A_782 : memref<96x128xf32, #tpu.memory_space<hbm>>) dst(%dma_wait3A_779 : memref<96x128xf32, #tpu.memory_space<vmem>>)
      %add3A_783 = arith.addi %mul3A_2, %add3A_770 : i32
      %dma_start3A_784 = arith.constant 0 : i32
      %dma_start3A_785 = arith.constant 0 : i32
      %dma_start3A_786 = tpu.memref_slice %arg15[%dma_start3A_784, %dma_start3A_785] : memref<104x128xf32, #tpu.memory_space<vmem>> -> memref<96x128xf32, #tpu.memory_space<vmem>>
      %dma_start3A_787 = arith.constant 104 : i32
      %dma_start3A_788 = arith.constant 0 : i32
      %dma_start3A_789 = tpu.memref_slice %arg5[%add3A_783, %dma_start3A_787, %dma_start3A_788] : memref<1024x200x128xf32, #tpu.memory_space<hbm>> -> memref<1x96x128xf32, #tpu.memory_space<hbm>>
      %dma_start3A_790 = tpu.memref_squeeze %dma_start3A_789 : memref<1x96x128xf32, #tpu.memory_space<hbm>> -> memref<96x128xf32, #tpu.memory_space<hbm>>
      %dma_start3A_791 = arith.constant 104 : i32
      %dma_start3A_792 = arith.constant 0 : i32
      %dma_start3A_793 = tpu.memref_slice %arg5[%add3A_783, %dma_start3A_791, %dma_start3A_792] : memref<1024x200x128xf32, #tpu.memory_space<hbm>> -> memref<1x96x128xf32, #tpu.memory_space<hbm>>
      %dma_start3A_794 = tpu.memref_squeeze %dma_start3A_793 : memref<1x96x128xf32, #tpu.memory_space<hbm>> -> memref<96x128xf32, #tpu.memory_space<hbm>>
      %dma_start3A_795 = arith.constant 0 : i32
      %dma_start3A_796 = arith.constant 0 : i32
      %dma_start3A_797 = tpu.memref_slice %arg15[%dma_start3A_795, %dma_start3A_796] : memref<104x128xf32, #tpu.memory_space<vmem>> -> memref<96x128xf32, #tpu.memory_space<vmem>>
      tpu.enqueue_dma source(%dma_start3A_797 : memref<96x128xf32, #tpu.memory_space<vmem>>) target(%dma_start3A_794 : memref<96x128xf32, #tpu.memory_space<hbm>>) target_semaphore(%arg31 : memref<!tpu.dma_semaphore, #tpu.memory_space<semaphore_mem>>)
      %jit3A_798 = arith.constant 2 : i32
      %div3A_799 = arith.divsi %add3A_101, %jit3A_798 : i32
      %sign3A_800 = arith.constant 0 : i32
      %sign3A_801 = arith.cmpi sgt, %add3A_101, %sign3A_800 : i32
      %sign3A_802 = arith.extui %sign3A_801 : i1 to i32
      %sign3A_803 = arith.constant 0 : i32
      %sign3A_804 = arith.cmpi slt, %add3A_101, %sign3A_803 : i32
      %sign3A_805 = arith.extui %sign3A_804 : i1 to i32
      %sign3A_806 = arith.subi %sign3A_802, %sign3A_805 : i32
      %sign3A_807 = arith.constant 0 : i32
      %sign3A_808 = arith.cmpi sgt, %jit3A_798, %sign3A_807 : i32
      %sign3A_809 = arith.extui %sign3A_808 : i1 to i32
      %sign3A_810 = arith.constant 0 : i32
      %sign3A_811 = arith.cmpi slt, %jit3A_798, %sign3A_810 : i32
      %sign3A_812 = arith.extui %sign3A_811 : i1 to i32
      %sign3A_813 = arith.subi %sign3A_809, %sign3A_812 : i32
      %ne3A_814 = arith.cmpi ne, %sign3A_806, %sign3A_813 : i32
      %rem3A_815 = arith.remsi %add3A_101, %jit3A_798 : i32
      %ne3A_816 = arith.constant 0 : i32
      %ne3A_817 = arith.cmpi ne, %rem3A_815, %ne3A_816 : i32
      %and3A_818 = arith.andi %ne3A_814, %ne3A_817 : i1
      %sub3A_819 = arith.constant 1 : i32
      %sub3A_820 = arith.subi %div3A_799, %sub3A_819 : i32
      %select_n3A_821 = arith.select %and3A_818, %sub3A_820, %div3A_799 : i32
      %add3A_822 = arith.constant 4 : i32
      %add3A_823 = arith.addi %select_n3A_821, %add3A_822 : i32
      %ge3A_824 = arith.constant 6 : i32
      %ge3A_825 = arith.cmpi sge, %add3A_744, %ge3A_824 : i32
      %convert_element_type3A_826 = arith.extui %ge3A_825 : i1 to i32
      %cond3A_827 = arith.constant 0 : i32
      %cond3A_828 = arith.cmpi ne, %convert_element_type3A_826, %cond3A_827 : i32
      scf.if %cond3A_828 {
        %dma_wait3A_836 = arith.constant 0 : i32
        %dma_wait3A_837 = arith.constant 0 : i32
        %dma_wait3A_838 = tpu.memref_slice %arg9[%dma_wait3A_836, %dma_wait3A_837] : memref<104x128xf32, #tpu.memory_space<vmem>> -> memref<96x128xf32, #tpu.memory_space<vmem>>
        %dma_wait3A_839 = arith.constant 0 : i32
        %dma_wait3A_840 = arith.constant 0 : i32
        %dma_wait3A_841 = tpu.memref_slice %arg4[%dma_wait3A_839, %dma_wait3A_840] : memref<1000000x128xf32, #tpu.memory_space<hbm>> -> memref<96x128xf32, #tpu.memory_space<hbm>>
        %dma_wait3A_842 = arith.constant 0 : i32
        %dma_wait3A_843 = arith.constant 0 : i32
        %dma_wait3A_844 = tpu.memref_slice %arg9[%dma_wait3A_842, %dma_wait3A_843] : memref<104x128xf32, #tpu.memory_space<vmem>> -> memref<96x128xf32, #tpu.memory_space<vmem>>
        %dma_wait3A_845 = arith.constant 0 : i32
        %dma_wait3A_846 = arith.constant 0 : i32
        %dma_wait3A_847 = tpu.memref_slice %arg4[%dma_wait3A_845, %dma_wait3A_846] : memref<1000000x128xf32, #tpu.memory_space<hbm>> -> memref<96x128xf32, #tpu.memory_space<hbm>>
        tpu.wait_dma2 semaphore(%arg25 : memref<!tpu.dma_semaphore, #tpu.memory_space<semaphore_mem>>) src(%dma_wait3A_847 : memref<96x128xf32, #tpu.memory_space<hbm>>) dst(%dma_wait3A_844 : memref<96x128xf32, #tpu.memory_space<vmem>>)
      } else {
      }
      %add3A_829 = arith.constant 2 : i32
      %add3A_830 = arith.addi %add3A_744, %add3A_829 : i32
      %lt3A_831 = arith.constant 64 : i32
      %lt3A_832 = arith.cmpi slt, %add3A_830, %lt3A_831 : i32
      %convert_element_type3A_833 = arith.extui %lt3A_832 : i1 to i32
      %cond3A_834 = arith.constant 0 : i32
      %cond3A_835 = arith.cmpi ne, %convert_element_type3A_833, %cond3A_834 : i32
      scf.if %cond3A_835 {
        "tpu.region"() ({
          %run_scoped3A = tpu.sem_alloc : memref<!tpu.dma_semaphore, #tpu.memory_space<semaphore_mem>>
          %dma_start3A_847 = arith.constant 0 : i32
          %dma_start3A_848 = arith.constant 0 : i32
          %dma_start3A_849 = tpu.memref_slice %arg9[%dma_start3A_847, %dma_start3A_848] : memref<104x128xf32, #tpu.memory_space<vmem>> -> memref<96x128xf32, #tpu.memory_space<vmem>>
          %dma_start3A_850 = arith.constant 104 : i32
          %dma_start3A_851 = arith.constant 0 : i32
          %dma_start3A_852 = tpu.memref_slice %arg6[%dma_start3A_850, %dma_start3A_851] : memref<200x128xf32, #tpu.memory_space<vmem_shared>> -> memref<96x128xf32, #tpu.memory_space<vmem_shared>>
          %dma_start3A_853 = arith.constant 0 : i32
          %dma_start3A_854 = arith.constant 0 : i32
          %dma_start3A_855 = tpu.memref_slice %arg9[%dma_start3A_853, %dma_start3A_854] : memref<104x128xf32, #tpu.memory_space<vmem>> -> memref<96x128xf32, #tpu.memory_space<vmem>>
          %dma_start3A_856 = arith.constant 104 : i32
          %dma_start3A_857 = arith.constant 0 : i32
          %dma_start3A_858 = tpu.memref_slice %arg6[%dma_start3A_856, %dma_start3A_857] : memref<200x128xf32, #tpu.memory_space<vmem_shared>> -> memref<96x128xf32, #tpu.memory_space<vmem_shared>>
          tpu.enqueue_dma source(%dma_start3A_858 : memref<96x128xf32, #tpu.memory_space<vmem_shared>>) target(%dma_start3A_855 : memref<96x128xf32, #tpu.memory_space<vmem>>) target_semaphore(%run_scoped3A : memref<!tpu.dma_semaphore, #tpu.memory_space<semaphore_mem>>)
          %dma_wait3A_859 = arith.constant 0 : i32
          %dma_wait3A_860 = arith.constant 0 : i32
          %dma_wait3A_861 = tpu.memref_slice %arg9[%dma_wait3A_859, %dma_wait3A_860] : memref<104x128xf32, #tpu.memory_space<vmem>> -> memref<96x128xf32, #tpu.memory_space<vmem>>
          %dma_wait3A_862 = arith.constant 104 : i32
          %dma_wait3A_863 = arith.constant 0 : i32
          %dma_wait3A_864 = tpu.memref_slice %arg6[%dma_wait3A_862, %dma_wait3A_863] : memref<200x128xf32, #tpu.memory_space<vmem_shared>> -> memref<96x128xf32, #tpu.memory_space<vmem_shared>>
          %dma_wait3A_865 = arith.constant 0 : i32
          %dma_wait3A_866 = arith.constant 0 : i32
          %dma_wait3A_867 = tpu.memref_slice %arg9[%dma_wait3A_865, %dma_wait3A_866] : memref<104x128xf32, #tpu.memory_space<vmem>> -> memref<96x128xf32, #tpu.memory_space<vmem>>
          %dma_wait3A_868 = arith.constant 104 : i32
          %dma_wait3A_869 = arith.constant 0 : i32
          %dma_wait3A_870 = tpu.memref_slice %arg6[%dma_wait3A_868, %dma_wait3A_869] : memref<200x128xf32, #tpu.memory_space<vmem_shared>> -> memref<96x128xf32, #tpu.memory_space<vmem_shared>>
          tpu.wait_dma2 semaphore(%run_scoped3A : memref<!tpu.dma_semaphore, #tpu.memory_space<semaphore_mem>>) src(%dma_wait3A_870 : memref<96x128xf32, #tpu.memory_space<vmem_shared>>) dst(%dma_wait3A_867 : memref<96x128xf32, #tpu.memory_space<vmem>>)
          tpu.yield
        }) : () -> ()
        %mul3A_836 = arith.constant 200 : i32
        %mul3A_837 = arith.muli %add3A_823, %mul3A_836 : i32
        %add3A_838 = arith.constant 104 : i32
        %add3A_839 = arith.addi %mul3A_837, %add3A_838 : i32
        %dma_start3A_840 = arith.constant 0 : i32
        %dma_start3A_841 = arith.constant 0 : i32
        %dma_start3A_842 = tpu.memref_slice %arg9[%dma_start3A_840, %dma_start3A_841] : memref<104x128xf32, #tpu.memory_space<vmem>> -> memref<96x128xf32, #tpu.memory_space<vmem>>
        %dma_start3A_843 = tpu.memref_slice %arg7[%add3A_839] : memref<6400xi32, #tpu.memory_space<vmem>> -> memref<96xi32, #tpu.memory_space<vmem>>
        %dma_start3A_844 = arith.constant 0 : i32
        %dma_start3A_845 = arith.constant 0 : i32
        %dma_start3A_846 = tpu.memref_slice %arg4[%dma_start3A_844, %dma_start3A_845] : memref<1000000x128xf32, #tpu.memory_space<hbm>> -> memref<1000000x128xf32, #tpu.memory_space<hbm>>
        tpu.enqueue_indirect_dma source(%dma_start3A_846 : memref<1000000x128xf32, #tpu.memory_space<hbm>>) target(%dma_start3A_842 : memref<96x128xf32, #tpu.memory_space<vmem>>) offsets(%dma_start3A_843 : memref<96xi32, #tpu.memory_space<vmem>>) semaphore(%arg17 : memref<!tpu.dma_semaphore, #tpu.memory_space<semaphore_mem>>) {add = true}
      } else {
      }
    }
    %scan3A_25 = arith.constant 8 : i32
    %dma_wait3A = arith.constant 0 : i32
    %dma_wait3A_26 = arith.constant 0 : i32
    %dma_wait3A_27 = tpu.memref_slice %arg10[%dma_wait3A, %dma_wait3A_26] : memref<104x128xf32, #tpu.memory_space<vmem>> -> memref<104x128xf32, #tpu.memory_space<vmem>>
    %dma_wait3A_28 = arith.constant 0 : i32
    %dma_wait3A_29 = arith.constant 0 : i32
    %dma_wait3A_30 = tpu.memref_slice %arg4[%dma_wait3A_28, %dma_wait3A_29] : memref<1000000x128xf32, #tpu.memory_space<hbm>> -> memref<104x128xf32, #tpu.memory_space<hbm>>
    %dma_wait3A_31 = arith.constant 0 : i32
    %dma_wait3A_32 = arith.constant 0 : i32
    %dma_wait3A_33 = tpu.memref_slice %arg10[%dma_wait3A_31, %dma_wait3A_32] : memref<104x128xf32, #tpu.memory_space<vmem>> -> memref<104x128xf32, #tpu.memory_space<vmem>>
    %dma_wait3A_34 = arith.constant 0 : i32
    %dma_wait3A_35 = arith.constant 0 : i32
    %dma_wait3A_36 = tpu.memref_slice %arg4[%dma_wait3A_34, %dma_wait3A_35] : memref<1000000x128xf32, #tpu.memory_space<hbm>> -> memref<104x128xf32, #tpu.memory_space<hbm>>
    tpu.wait_dma2 semaphore(%arg26 : memref<!tpu.dma_semaphore, #tpu.memory_space<semaphore_mem>>) src(%dma_wait3A_36 : memref<104x128xf32, #tpu.memory_space<hbm>>) dst(%dma_wait3A_33 : memref<104x128xf32, #tpu.memory_space<vmem>>)
    %dma_wait3A_37 = arith.constant 0 : i32
    %dma_wait3A_38 = arith.constant 0 : i32
    %dma_wait3A_39 = tpu.memref_slice %arg11[%dma_wait3A_37, %dma_wait3A_38] : memref<104x128xf32, #tpu.memory_space<vmem>> -> memref<96x128xf32, #tpu.memory_space<vmem>>
    %dma_wait3A_40 = arith.constant 0 : i32
    %dma_wait3A_41 = arith.constant 0 : i32
    %dma_wait3A_42 = tpu.memref_slice %arg4[%dma_wait3A_40, %dma_wait3A_41] : memref<1000000x128xf32, #tpu.memory_space<hbm>> -> memref<96x128xf32, #tpu.memory_space<hbm>>
    %dma_wait3A_43 = arith.constant 0 : i32
    %dma_wait3A_44 = arith.constant 0 : i32
    %dma_wait3A_45 = tpu.memref_slice %arg11[%dma_wait3A_43, %dma_wait3A_44] : memref<104x128xf32, #tpu.memory_space<vmem>> -> memref<96x128xf32, #tpu.memory_space<vmem>>
    %dma_wait3A_46 = arith.constant 0 : i32
    %dma_wait3A_47 = arith.constant 0 : i32
    %dma_wait3A_48 = tpu.memref_slice %arg4[%dma_wait3A_46, %dma_wait3A_47] : memref<1000000x128xf32, #tpu.memory_space<hbm>> -> memref<96x128xf32, #tpu.memory_space<hbm>>
    tpu.wait_dma2 semaphore(%arg27 : memref<!tpu.dma_semaphore, #tpu.memory_space<semaphore_mem>>) src(%dma_wait3A_48 : memref<96x128xf32, #tpu.memory_space<hbm>>) dst(%dma_wait3A_45 : memref<96x128xf32, #tpu.memory_space<vmem>>)
    %dma_wait3A_49 = arith.constant 0 : i32
    %dma_wait3A_50 = arith.constant 0 : i32
    %dma_wait3A_51 = tpu.memref_slice %arg12[%dma_wait3A_49, %dma_wait3A_50] : memref<104x128xf32, #tpu.memory_space<vmem>> -> memref<104x128xf32, #tpu.memory_space<vmem>>
    %dma_wait3A_52 = arith.constant 0 : i32
    %dma_wait3A_53 = arith.constant 0 : i32
    %dma_wait3A_54 = tpu.memref_slice %arg4[%dma_wait3A_52, %dma_wait3A_53] : memref<1000000x128xf32, #tpu.memory_space<hbm>> -> memref<104x128xf32, #tpu.memory_space<hbm>>
    %dma_wait3A_55 = arith.constant 0 : i32
    %dma_wait3A_56 = arith.constant 0 : i32
    %dma_wait3A_57 = tpu.memref_slice %arg12[%dma_wait3A_55, %dma_wait3A_56] : memref<104x128xf32, #tpu.memory_space<vmem>> -> memref<104x128xf32, #tpu.memory_space<vmem>>
    %dma_wait3A_58 = arith.constant 0 : i32
    %dma_wait3A_59 = arith.constant 0 : i32
    %dma_wait3A_60 = tpu.memref_slice %arg4[%dma_wait3A_58, %dma_wait3A_59] : memref<1000000x128xf32, #tpu.memory_space<hbm>> -> memref<104x128xf32, #tpu.memory_space<hbm>>
    tpu.wait_dma2 semaphore(%arg28 : memref<!tpu.dma_semaphore, #tpu.memory_space<semaphore_mem>>) src(%dma_wait3A_60 : memref<104x128xf32, #tpu.memory_space<hbm>>) dst(%dma_wait3A_57 : memref<104x128xf32, #tpu.memory_space<vmem>>)
    %dma_wait3A_61 = arith.constant 0 : i32
    %dma_wait3A_62 = arith.constant 0 : i32
    %dma_wait3A_63 = tpu.memref_slice %arg13[%dma_wait3A_61, %dma_wait3A_62] : memref<104x128xf32, #tpu.memory_space<vmem>> -> memref<96x128xf32, #tpu.memory_space<vmem>>
    %dma_wait3A_64 = arith.constant 0 : i32
    %dma_wait3A_65 = arith.constant 0 : i32
    %dma_wait3A_66 = tpu.memref_slice %arg4[%dma_wait3A_64, %dma_wait3A_65] : memref<1000000x128xf32, #tpu.memory_space<hbm>> -> memref<96x128xf32, #tpu.memory_space<hbm>>
    %dma_wait3A_67 = arith.constant 0 : i32
    %dma_wait3A_68 = arith.constant 0 : i32
    %dma_wait3A_69 = tpu.memref_slice %arg13[%dma_wait3A_67, %dma_wait3A_68] : memref<104x128xf32, #tpu.memory_space<vmem>> -> memref<96x128xf32, #tpu.memory_space<vmem>>
    %dma_wait3A_70 = arith.constant 0 : i32
    %dma_wait3A_71 = arith.constant 0 : i32
    %dma_wait3A_72 = tpu.memref_slice %arg4[%dma_wait3A_70, %dma_wait3A_71] : memref<1000000x128xf32, #tpu.memory_space<hbm>> -> memref<96x128xf32, #tpu.memory_space<hbm>>
    tpu.wait_dma2 semaphore(%arg29 : memref<!tpu.dma_semaphore, #tpu.memory_space<semaphore_mem>>) src(%dma_wait3A_72 : memref<96x128xf32, #tpu.memory_space<hbm>>) dst(%dma_wait3A_69 : memref<96x128xf32, #tpu.memory_space<vmem>>)
    %dma_wait3A_73 = arith.constant 0 : i32
    %dma_wait3A_74 = arith.constant 0 : i32
    %dma_wait3A_75 = tpu.memref_slice %arg14[%dma_wait3A_73, %dma_wait3A_74] : memref<104x128xf32, #tpu.memory_space<vmem>> -> memref<104x128xf32, #tpu.memory_space<vmem>>
    %dma_wait3A_76 = arith.constant 0 : i32
    %dma_wait3A_77 = arith.constant 0 : i32
    %dma_wait3A_78 = tpu.memref_slice %arg4[%dma_wait3A_76, %dma_wait3A_77] : memref<1000000x128xf32, #tpu.memory_space<hbm>> -> memref<104x128xf32, #tpu.memory_space<hbm>>
    %dma_wait3A_79 = arith.constant 0 : i32
    %dma_wait3A_80 = arith.constant 0 : i32
    %dma_wait3A_81 = tpu.memref_slice %arg14[%dma_wait3A_79, %dma_wait3A_80] : memref<104x128xf32, #tpu.memory_space<vmem>> -> memref<104x128xf32, #tpu.memory_space<vmem>>
    %dma_wait3A_82 = arith.constant 0 : i32
    %dma_wait3A_83 = arith.constant 0 : i32
    %dma_wait3A_84 = tpu.memref_slice %arg4[%dma_wait3A_82, %dma_wait3A_83] : memref<1000000x128xf32, #tpu.memory_space<hbm>> -> memref<104x128xf32, #tpu.memory_space<hbm>>
    tpu.wait_dma2 semaphore(%arg30 : memref<!tpu.dma_semaphore, #tpu.memory_space<semaphore_mem>>) src(%dma_wait3A_84 : memref<104x128xf32, #tpu.memory_space<hbm>>) dst(%dma_wait3A_81 : memref<104x128xf32, #tpu.memory_space<vmem>>)
    %dma_wait3A_85 = arith.constant 0 : i32
    %dma_wait3A_86 = arith.constant 0 : i32
    %dma_wait3A_87 = tpu.memref_slice %arg15[%dma_wait3A_85, %dma_wait3A_86] : memref<104x128xf32, #tpu.memory_space<vmem>> -> memref<96x128xf32, #tpu.memory_space<vmem>>
    %dma_wait3A_88 = arith.constant 0 : i32
    %dma_wait3A_89 = arith.constant 0 : i32
    %dma_wait3A_90 = tpu.memref_slice %arg4[%dma_wait3A_88, %dma_wait3A_89] : memref<1000000x128xf32, #tpu.memory_space<hbm>> -> memref<96x128xf32, #tpu.memory_space<hbm>>
    %dma_wait3A_91 = arith.constant 0 : i32
    %dma_wait3A_92 = arith.constant 0 : i32
    %dma_wait3A_93 = tpu.memref_slice %arg15[%dma_wait3A_91, %dma_wait3A_92] : memref<104x128xf32, #tpu.memory_space<vmem>> -> memref<96x128xf32, #tpu.memory_space<vmem>>
    %dma_wait3A_94 = arith.constant 0 : i32
    %dma_wait3A_95 = arith.constant 0 : i32
    %dma_wait3A_96 = tpu.memref_slice %arg4[%dma_wait3A_94, %dma_wait3A_95] : memref<1000000x128xf32, #tpu.memory_space<hbm>> -> memref<96x128xf32, #tpu.memory_space<hbm>>
    tpu.wait_dma2 semaphore(%arg31 : memref<!tpu.dma_semaphore, #tpu.memory_space<semaphore_mem>>) src(%dma_wait3A_96 : memref<96x128xf32, #tpu.memory_space<hbm>>) dst(%dma_wait3A_93 : memref<96x128xf32, #tpu.memory_space<vmem>>)
    return
  }
}

</mosaic_0001>

<sc_bundles>
// kernel: kernel.3.cloned.1.call-start
scs
__scs_entry_jumppad:
0x0: {  	(pc) =	sbr.rel $0x88, $3  }
0x1: {  	(tag) =	ssettag $0x0;
	lr =	simm.s32 $0x1  }
0x2: {  	[smem:$0x3F9D] =	sst lr;
	_ =	strace $0xD0000000  }
0x3: {  	_ = 	snop  }
0x4: {  	_ = 	snop  }
0x5: {  	_ = 	snop  }
0x6: {  	_ = 	snop  }
0x7: {  	_ = 	snop  }
__scs_overlays_trampoline_lowered:
0x8: {  	[smem:$0x3FAC] =	sst s0  }
0x9: {  	[smem:$0x3FAD] =	sst s1  }
0xa: {  	[smem:$0x3FAE] =	sst s2  }
0xb: {  	[smem:$0x3FAF] =	sst s3  }
0xc: {  	[smem:$0x3FB0] =	sst s4  }
0xd: {  	[smem:$0x3FB1] =	sst s5  }
0xe: {  	[smem:$0x3FB2] =	sst s6  }
0xf: {  	[smem:$0x3FB3] =	sst s7  }
0x10: {  	[smem:$0x3FB4] =	sst s8  }
0x11: {  	[smem:$0x3FB5] =	sst s9;
	s0 =	simm.s32 @!p0 $0x0  }
0x12: {  	s1 =	sld [smem:$0x3F9B];
	s0 =	simm.s32 @p0 $0x1  }
0x13: {  	[smem:$0x3FB6] =	sst s0;
	s0 =	simm.s32 @!p1 $0x0  }
0x14: {  	s2 =	sld [smem:$0x3F9A];
	s0 =	simm.s32 @p1 $0x1  }
0x15: {  	[smem:$0x3FB7] =	sst s0;
	s0 =	simm.s32 @!p2 $0x0  }
0x16: {  	s3 =	sld [smem:$0x3FDB];
	s0 =	simm.s32 @p2 $0x1  }
0x17: {  	s4 =	simm.s32 $0x1BF5;
	[smem:$0x3FB9] =	sst s0  }
0x18: {  	s0 =	sld [smem:$0x3F9C];
	_ =	swait.ge [sflag:s4], $0x0  }
0x19: {  	s7 =	sld [smem:$0x3F9D]  }
0x1a: {  	s8 =	sadd.s32 $0xFFFFE003, lr  }
0x1b: {  	s9 =	sadd.s32 $0xFFFFFEF7, lr;
	s5 =	simm.s32 $0xFFFFFFFF;
	p2 =	slt.u32 s8, $0xFFFFF086  }
0x1c: {  	p1 =	slt.u32 s9, $0xF7A;
	s5 =	simm.s32 @!p2 $0x0  }
0x1d: {  	s5 =	simm.s32 @p1 $0x1;
	p0 =	seq.s32 s7, s2  }
0x1e: {  	s7 =	smul.u32 @!p0 $0xF7A, s2;
	p2 =	seq.s32 @!p0 s5, $0x0  }
0x1f: {  	s9 =	smul.u32 $0xF7A, s1;
	s8 =	simm.s32 @!p0 $0x1BF5;
	p2 =	por !p2, p0  }
0x20: {  	[sflag:s8] =	ssyncset.s32 @!p0 $0xFFFFF086;
	s6 =	sadd.s32 @!p0 s3, s7;
	s7 =	simm.s32 @!p0 $0x108  }
0x21: {  	s3 =	sadd.s32 s3, s9;
	s6 =	sadd.s32 @!p0 $0x88, s6;
	s7 =	simm.s32 @p2 $0x1082  }
0x22: {  	[simem:s7], [sflag:s8] =	dma.local @!p0 [hbm:s6], $0xF7A  }
0x23: {  	s9 =	sor.u32 $0xD0000000, s2;
	s6 =	simm.s32 $0x108;
	_ =	swait.ge @!p0 [sflag:s8], $0x0  }
0x24: {  	s3 =	sadd.s32 $0x88, s3;
	s6 =	simm.s32 @!p1 $0x1082;
	[sflag:s4] =	ssyncset.s32 $0xFFFFF086  }
0x25: {  	[simem:s6], [sflag:s4] =	dma.local [hbm:s3], $0xF7A  }
0x26: {  	[smem:$0x3F9D] =	sst s1;
	(tag) =	ssettag s2;
	_ =	strace s9  }
0x27: {  	s1 =	sld [smem:$0x3FAD]  }
0x28: {  	s2 =	sld [smem:$0x3FAE]  }
0x29: {  	s4 =	sld [smem:$0x3FB0]  }
0x2a: {  	p0 =	seq.s32 s5, $0x0;
	s5 =	sld [smem:$0x3FB1]  }
0x2b: {  	s6 =	sld [smem:$0x3FB2]  }
0x2c: {  	s7 =	sld [smem:$0x3FB3]  }
0x2d: {  	s3 =	simm.s32 $0x108;
	s8 =	sld [smem:$0x3FB4]  }
0x2e: {  	s3 =	simm.s32 @!p0 $0x1082;
	s9 =	sld [smem:$0x3FB5]  }
0x2f: {  	lr =	sadd.s32 s0, s3;
	s0 =	sld [smem:$0x3FAC]  }
0x30: {  	s3 =	sld [smem:$0x3FAF]  }
0x31: {  	[smem:$0x3FB8] =	sst s10  }
0x32: {  	s10 =	sld [smem:$0x3FB6];
	_ =	sdelay $0x3  }
0x33: {  	p0 =	seq.s32 s10, $0x1;
	s10 =	sld [smem:$0x3FB8];
	_ =	sdelay $0x3  }
0x34: {  	[smem:$0x3FB8] =	sst s10  }
0x35: {  	s10 =	sld [smem:$0x3FB7];
	_ =	sdelay $0x3  }
0x36: {  	p1 =	seq.s32 s10, $0x1;
	s10 =	sld [smem:$0x3FB8];
	_ =	sdelay $0x3  }
0x37: {  	[smem:$0x3FB8] =	sst s10  }
0x38: {  	s10 =	sld [smem:$0x3FB9]  }
0x39: {  	_ = 	snop;
	(pc) =	sbr.ind lr, $3  }
0x3a: {  	_ = 	snop  }
0x3b: {  	_ = 	snop  }
0x3c: {  	p2 =	seq.s32 s10, $0x1;
	s10 =	sld [smem:$0x3FB8]  }
0x3d: {  	_ =	shalt  }
0x3e: {  	_ =	shalt  }
0x3f: {  	_ =	shalt  }
0x40: {  	_ =	shalt  }
0x41: {  	_ =	shalt  }
0x42: {  	_ =	shalt  }
0x43: {  	_ =	shalt  }
0x44: {  	_ =	shalt  }
0x45: {  	_ =	shalt  }
0x46: {  	_ =	shalt  }
0x47: {  	_ =	shalt  }
0x48: {  	_ =	shalt  }
0x49: {  	_ =	shalt  }
0x4a: {  	_ =	shalt  }
0x4b: {  	_ =	shalt  }
0x4c: {  	_ =	shalt  }
0x4d: {  	_ =	shalt  }
0x4e: {  	_ =	shalt  }
0x4f: {  	_ =	shalt  }
0x50: {  	_ =	shalt  }
0x51: {  	_ =	shalt  }
0x52: {  	_ =	shalt  }
0x53: {  	_ =	shalt  }
0x54: {  	_ =	shalt  }
0x55: {  	_ =	shalt  }
0x56: {  	_ =	shalt  }
0x57: {  	_ =	shalt  }
0x58: {  	_ =	shalt  }
0x59: {  	_ =	shalt  }
0x5a: {  	_ =	shalt  }
0x5b: {  	_ =	shalt  }
0x5c: {  	_ =	shalt  }
0x5d: {  	_ =	shalt  }
0x5e: {  	_ =	shalt  }
0x5f: {  	_ =	shalt  }
0x60: {  	_ =	shalt  }
0x61: {  	_ =	shalt  }
0x62: {  	_ =	shalt  }
0x63: {  	_ =	shalt  }
0x64: {  	_ =	shalt  }
0x65: {  	_ =	shalt  }
0x66: {  	_ =	shalt  }
0x67: {  	_ =	shalt  }
0x68: {  	_ =	shalt  }
0x69: {  	_ =	shalt  }
0x6a: {  	_ =	shalt  }
0x6b: {  	_ =	shalt  }
0x6c: {  	_ =	shalt  }
0x6d: {  	_ =	shalt  }
0x6e: {  	_ =	shalt  }
0x6f: {  	_ =	shalt  }
0x70: {  	_ =	shalt  }
0x71: {  	_ =	shalt  }
0x72: {  	_ =	shalt  }
0x73: {  	_ =	shalt  }
0x74: {  	_ =	shalt  }
0x75: {  	_ =	shalt  }
0x76: {  	_ =	shalt  }
0x77: {  	_ =	shalt  }
0x78: {  	_ =	shalt  }
0x79: {  	_ =	shalt  }
0x7a: {  	_ =	shalt  }
0x7b: {  	_ =	shalt  }
0x7c: {  	_ =	shalt  }
0x7d: {  	_ =	shalt  }
0x7e: {  	_ =	shalt  }
0x7f: {  	_ =	shalt  }
0x80: {  	_ =	shalt  }
0x81: {  	_ =	shalt  }
0x82: {  	_ =	shalt  }
0x83: {  	_ =	shalt  }
0x84: {  	_ =	shalt  }
0x85: {  	_ =	shalt  }
0x86: {  	_ =	shalt  }
0x87: {  	_ =	shalt  }
.Lfunc_end0:
.L_simem_size_0:
called_computation_lowered:
.L_overlay_start_0:
0x88: {  	s2 =	sld [smem:$0x3FD9]  }
0x89: {  	s3 =	sld [smem:$0x3FFE];
	_ =	sdelay $0x1  }
0x8a: {  	s1 =	srdreg.scid  }
0x8b: {  	s0 =	sand.u32 $0x1, s1  }
0x8c: {  	s17 =	sshll.u32 s0, $0xA;
	s2 =	sadd.s32 s3, s2  }
0x8d: {  	s2 =	sadd.s32 s2, s17  }
0x8e: {  	[smem:$0x3FC4] =	sst s2  }
0x8f: {  	_ = 	snop  }
0x90: {  	s2 =	sld [smem:$0x3FC7]  }
0x91: {  	s18 =	sld [smem:$0x3FD0];
	(tm) =	ssettm $0x1  }
0x92: {  	s4 =	sld [smem:$0x3FFB];
	_ =	sdelay $0x3  }
0x93: {  	_ =	strace s4  }
0x94: {  	s4 =	sld [smem:$0x3FFC];
	_ =	sdelay $0x3  }
0x95: {  	_ =	strace s4  }
0x96: {  	s4 =	sld [smem:$0x3FFD];
	_ =	sdelay $0x3  }
0x97: {  	_ =	strace s4  }
0x98: {  	_ =	strace $0x8FFFFFFF  }
0x99: {  	s19 =	sld [smem:$0x3FDB];
	_ =	sdelay $0x1  }
0x9a: {  	s5 =	simm.s32 $_scs_section_size  }
0x9b: {  	s6 =	simm.s32 $_size__tile_overlayer_lowered;
	s7 =	simm.s32 $_tile_overlayer_lowered  }
0x9c: {  	s22 =	simm.s32 $0x1BFF;
	s21 =	sshll.u32 s7, $0x1;
	s4 =	sadd.s32 s5, s19  }
0x9d: {  	s8 =	simm.s32 $0x0;
	s20 =	sshll.u32 s6, $0x1;
	s6 =	sadd.s32 s21, s4  }
0x9e: {  	[timem:s8], [sflag:s22] =	dma.local [hbm:s6], s20  }
0x9f: {  	_ =	swait.ge [sflag:s22], s20  }
0xa0: {  	s5 =	ssub.s32 $0x0, s20;
	[sflag:s22] =	ssyncset.done $0x0  }
0xa1: {  	[sflag:s22] =	ssyncadd.s32 s5;
	_ =	sdelay $0x1  }
0xa2: {  	s23 =	simm.s32 $0x1B8B  }
0xa3: {  	_ =	swait.ge [sflag:s23], $0x1  }
0xa4: {  	[sflag:s23] =	ssyncset.done $0x0  }
0xa5: {  	s25 =	simm.s32 $0x1B8E;
	s24 =	sld [smem:$0x3FFE];
	[sflag:s23] =	ssyncadd.s32 $0xFFFFFFFF  }
0xa6: {  	s26 =	simm.s32 $execute0_lowered;
	[smem:$0x3FD2] =	sst s25  }
0xa7: {  	s6 =	sshll.u32 s26, $0x1;
	_ =	strace $0x80000046;
	[dreg:$0x1] =	wrdreg $0xFFFFFFFF  }
0xa8: {  	s28 =	simm.s32 $_size_execute0_lowered;
	s4 =	sadd.s32 s4, s6;
	[dreg:$0x0] =	wrdreg $0x0  }
0xa9: {  	s6 =	sshll.u32 s28, $0x1;
	[dreg:$0x2] =	wrdreg s4  }
0xaa: {  	[dreg:$0x3] =	wrdreg s6  }
0xab: {  	[dreg:$0x4] =	wrdreg $0xC0  }
0xac: {  	_ =	task [dreg:s8], $0x5FFFF  }
0xad: {  	[dreg:$0x1] =	wrdreg $0xFFFFFFFF  }
0xae: {  	[dreg:$0x0] =	wrdreg $0x60  }
0xaf: {  	[dreg:$0x2] =	wrdreg s24  }
0xb0: {  	[dreg:$0x3] =	wrdreg s2  }
0xb1: {  	[dreg:$0x4] =	wrdreg s18  }
0xb2: {  	[dreg:$0x5] =	wrdreg $0x0  }
0xb3: {  	[dreg:$0x6] =	wrdreg $0x9  }
0xb4: {  	_ =	task.clear_ibuf [dreg:s8], $0x7FFFF;
	_ =	strace $0x90000046  }
0xb5: {  	s29 =	simm.s32 $0x9;
	_ =	strace $0x80000048  }
0xb6: {  	_ =	swait.ge [sflag:s29], $0x1  }
0xb7: {  	[sflag:s29] =	ssyncadd.s32 $0xFFFFFFFF  }
0xb8: {  	_ =	strace $0x90000048  }
0xb9: {  	_ =	sfence  }
0xba: {  	s30 =	sld [smem:$0x0];
	_ =	sdelay $0x2  }
0xbb: {  	s31 =	sshll.u32 s1, $0xD;
	s1 =	sshrl.u32 s1, $0x2  }
0xbc: {  	s3 =	sand.u32 $0x4000, s31;
	s1 =	sadd.s32 s1, s30  }
0xbd: {  	s0 =	sor.u32 s3, s0;
	s1 =	sshll.u32 s1, $0x11  }
0xbe: {  	s0 =	sor.u32 s1, s0  }
0xbf: {  	s0 =	sadd.s32 $0x8F2B, s0  }
0xc0: {  	[sflag:s0] =	ssyncadd.remote.s32 $0x1  }
0xc1: {  	_ =	sfence.sel $0xFFFF  }
0xc2: {  	[dreg:$0x0] =	wrdreg $0xFFFFFFFF;
	(pc) =	sbr.abs _section_cstart, $3  }
0xc3: {  	[dreg:$0x1] =	wrdreg $0xFFFFFFFF  }
0xc4: {  	_ =	task.clear_ibuf [dreg:s8], $0x2FFFF;
	_ =	strace $0x9FFFFFFF  }
0xc5: {  	(tm) =	ssettm $0x7FFFFFFF  }
tec
execute0_lowered:
.L_overlay_start_1:
0x0: {  	(tag) =	ssettag $0x1  }
0x1: {  	s1 =	rddreg [dreg:$0x0]  }
0x2: {  	s2 =	srdreg.scid;
	s0 =	rddreg [dreg:$0x1]  }
0x3: {  	s4 =	stileid.u32;
	s7 =	rddreg [dreg:$0x2]  }
0x4: {  	s15 =	simm.s32 $0x11;
	s28 =	simm.s32 $0xEF40;
	s29 =	simm.s32 $0x4  }
0x5: {  	s30 =	simm.s32 $0x12340;
	s31 =	simm.s32 $0x5;
	s14 =	simm.s32 $0x8  }
0x6: {  	s16 =	simm.s32 $0xA;
	s5 =	sand.u32 $0x1, s2;
	s8 =	smul.u32 $0x190000, s4  }
0x7: {  	s18 =	sshll.u32 s4, $0x1;
	s2 =	rddreg [dreg:$0x3];
	s11 =	smul.u32 $0x32000, s4  }
0x8: {  	p0 =	sne.s32 s4, $0x0;
	s4 =	simm.s32 $0x18B40;
	s9 =	smul.u32 $0xC8000, s5  }
0x9: {  	s3 =	sor.u32 s5, s18;
	s10 =	ssub.s32 $0x2, s5;
	s24 =	smul.u32 $0x19000, s5  }
0xa: {  	s18 =	simm.s32 $0x68;
	s6 =	smul.u32 $0x320, s3;
	s3 =	simm.s32 $0x0  }
0xb: {  	s19 =	sshrl.u32 s10, $0x1;
	s11 =	sadd.s32 s11, s7;
	[smem:$0x7FF] =	sst s3  }
0xc: {  	s8 =	sadd.s32 s9, s8;
	_ =	strace $0x80000047;
	s6 =	sadd.s32 s6, s1  }
0xd: {  	s1 =	sadd.s32 $0x6A00, s1;
	s9 =	sor.u32 $0x3400, s8;
	s21 =	sshrl.u32 s8, $0x3  }
0xe: {  	s22 =	sadd.s32 $0x16000, s8;
	s25 =	sadd.s32 $0xFC00, s8;
	s8 =	sadd.s32 $0x9800, s8  }
0xf: {  	[dreg:$0x5] =	wrdreg s1;
	s1 =	ssub.s32 s10, s19;
	s6 =	sadd.s32 $0x600, s6  }
0x10: {  	s20 =	sshrl.u32 s9, $0x3;
	s23 =	sshrl.u32 s22, $0x3;
	s5 =	sshrl.u32 s25, $0x3  }
0x11: {  	s26 =	sshrl.u32 s8, $0x3;
	s19 =	simm.s32 $0x5340;
	s22 =	simm.s32 $0x1  }
0x12: {  	s25 =	simm.s32 $0xBB40;
	s10 =	simm.s32 $0x0;
	[dreg:$0x6] =	wrdreg s6  }
0x13: {  	s6 =	sadd.s32 $0x3400, s2;
	s1 =	smax.u32 s1, $0x1;
	s12 =	sadd.s32 s5, s7  }
0x14: {  	s13 =	sadd.s32 s26, s7;
	s26 =	simm.s32 $0x3;
	s5 =	simm.s32 $0x7  }
0x15: {  	[dreg:$0x7] =	wrdreg s1;
	s1 =	sadd.s32 s20, s7;
	s20 =	simm.s32 $0x60  }
.Ltmp0:
0x16: {  	[dreg:$0x8] =	wrdreg s1;
	s1 =	sadd.s32 s21, s7;
	(pc) =	sbr.rel .LBB2_1-.Ltmp0, $4  }
0x17: {  	s21 =	simm.s32 $0x6;
	[dreg:$0x9] =	wrdreg s1;
	s1 =	sadd.s32 s23, s7  }
0x18: {  	s23 =	simm.s32 $0x8740;
	[dreg:$0xa] =	wrdreg s1;
	s1 =	sadd.s32 s24, s11  }
0x19: {  	s7 =	simm.s32 $0x9;
	[dreg:$0xb] =	wrdreg s1;
	s1 =	sshrl.u32 @!p0 s2, $0x3  }
0x1a: {  	s24 =	simm.s32 $0x2;
	[dreg:$0xc] =	wrdreg s1;
	s1 =	simm.s32 $0x15740  }
.LBB2_4:
0x1b: {  	s8 =	simm.s32 $0xB  }
0x1c: {  	_ =	swait.ge [sflag:s8], $0x3400  }
0x1d: {  	[sflag:s8] =	ssyncset.done $0x0  }
0x1e: {  	s17 =	simm.s32 $0xC;
	[sflag:s8] =	ssyncadd.s32 $0xFFFFCC00  }
0x1f: {  	_ =	swait.ge [sflag:s17], $0x3000  }
0x20: {  	[sflag:s17] =	ssyncset.done $0x0  }
0x21: {  	s9 =	simm.s32 $0xD;
	[sflag:s17] =	ssyncadd.s32 $0xFFFFD000  }
0x22: {  	_ =	swait.ge [sflag:s9], $0x3400  }
0x23: {  	[sflag:s9] =	ssyncset.done $0x0  }
0x24: {  	s10 =	simm.s32 $0xE;
	[sflag:s9] =	ssyncadd.s32 $0xFFFFCC00  }
0x25: {  	_ =	swait.ge [sflag:s10], $0x3000  }
0x26: {  	[sflag:s10] =	ssyncset.done $0x0  }
0x27: {  	s11 =	simm.s32 $0xF;
	[sflag:s10] =	ssyncadd.s32 $0xFFFFD000  }
0x28: {  	_ =	swait.ge [sflag:s11], $0x3400  }
0x29: {  	[sflag:s11] =	ssyncset.done $0x0  }
0x2a: {  	s9 =	simm.s32 $0x10;
	[sflag:s11] =	ssyncadd.s32 $0xFFFFCC00  }
0x2b: {  	_ =	swait.ge [sflag:s9], $0x3000  }
0x2c: {  	s10 =	rddreg [dreg:$0xd]  }
0x2d: {  	s17 =	rddreg [dreg:$0x7];
	s10 =	sadd.s32 $0x1, s10  }
0x2e: {  	p1 =	sne.s32 s10, s17  }
.Ltmp1:
0x2f: {  	_ = 	snop;
	(pc) =	sbr.rel @!p1 .LBB2_5-.Ltmp1, $3  }
0x30: {  	_ =	sdelay $0x1  }
0x31: {  	[sflag:s9] =	ssyncset.done $0x0  }
0x32: {  	[sflag:s9] =	ssyncadd.s32 $0xFFFFD000  }
.LBB2_1:
0x33: {  	[dreg:$0xd] =	wrdreg s10  }
0x34: {  	s8 =	rddreg [dreg:$0x6];
	s17 =	simm.s32 $0x640  }
0x35: {  	[tilespmem:s17], [sflag:$0x11] =	stream.linear.gather [hbm4b:s8+s3], $0x1900, $0x38;
	[tilespmem:$0x1BF40] =	vst v63  }
0x36: {  	_ =	swait.ge [sflag:s15], $0x1900  }
0x37: {  	[sflag:s15] =	ssyncset.done $0x0;
	s9 =	rddreg [dreg:$0x5]  }
0x38: {  	s8 =	simm.s32 @!p0 $0x1C11;
	s11 =	rddreg [dreg:$0xc];
	[sflag:s15] =	ssyncadd.s32 $0xFFFFE700  }
0x39: {  	[spmem:s11], [sflag:s8] =	dma.local @!p0 [hbm:s9], $0xC80  }
0x3a: {  	s8 =	simm.s32 @!p0 $0x11  }
0x3b: {  	_ =	swait.ge @!p0 [sflag:s8], $0xC80  }
0x3c: {  	[sflag:s8] =	ssyncset.done @!p0 $0x0  }
0x3d: {  	[sflag:s8] =	ssyncadd.s32 @!p0 $0xFFFFF380  }
0x3e: {  	s11 =	simm.s32 $0x1F40;
	[bflag:$0x0] =	sbarrier.arrive $0xFFFF  }
0x3f: {  	[tilespmem:s11], [sflag:$0x11] =	stream.linear.gather [spmem:s2], $0x3400, $0x38;
	[tilespmem:$0x1BF40] =	vst v63  }
0x40: {  	_ =	swait.ge [sflag:s15], $0x3400  }
0x41: {  	[sflag:s15] =	ssyncset.done $0x0  }
0x42: {  	[sflag:s15] =	ssyncadd.s32 $0xFFFFCC00  }
0x43: {  	[tilespmem:s11], [sflag:$0x1] =	stream.indirect.gather.add.f32 [hbm:s0], $0x80, s17, s18, $0xb8;
	[tilespmem:$0x1BF40] =	vst v63  }
0x44: {  	_ = 	snop  }
0x45: {  	[tilespmem:s19], [sflag:$0x11] =	stream.linear.gather [spmem:s6], $0x3000, $0x38;
	[tilespmem:$0x1BF40] =	vst v63  }
0x46: {  	_ =	swait.ge [sflag:s15], $0x3000  }
0x47: {  	[sflag:s15] =	ssyncset.done $0x0  }
0x48: {  	s17 =	simm.s32 $0x6A8;
	[sflag:s15] =	ssyncadd.s32 $0xFFFFD000  }
0x49: {  	[tilespmem:s19], [sflag:$0x2] =	stream.indirect.gather.add.f32 [hbm:s0], $0x80, s17, s20, $0xb8;
	[tilespmem:$0x1BF40] =	vst v63  }
0x4a: {  	s8 =	simm.s32 $0x0;
	s17 =	simm.s32 $0x838  }
.LBB2_2:
0x4b: {  	_ =	swait.ge [sflag:s22], $0x3400  }
0x4c: {  	s10 =	simm.s32 $0x1F40;
	[sflag:s22] =	ssyncset.done $0x0;
	s9 =	rddreg [dreg:$0x9]  }
0x4d: {  	p1 =	seq.s32 s8, $0x0;
	[sflag:s22] =	ssyncadd.s32 $0xFFFFCC00;
	s9 =	sadd.s32 s8, s9  }
0x4e: {  	[hbm4b:s9+s3] =	stream.linear.scatter [tilespmem:s10], [sflag:$0x9], $0x3400, $0x38;
	[tilespmem:$0x1BF40] =	vst v63  }
0x4f: {  	s9 =	simm.s32 @!p1 $0xB  }
0x50: {  	_ =	swait.ge @!p1 [sflag:s9], $0x3400  }
0x51: {  	[sflag:s9] =	ssyncset.done @!p1 $0x0  }
0x52: {  	[sflag:s9] =	ssyncadd.s32 @!p1 $0xFFFFCC00  }
0x53: {  	[tilespmem:s23], [sflag:$0x11] =	stream.linear.gather [spmem:s2], $0x3400, $0x38;
	[tilespmem:$0x1BF40] =	vst v63  }
0x54: {  	_ =	swait.ge [sflag:s15], $0x3400  }
0x55: {  	[sflag:s15] =	ssyncset.done $0x0  }
0x56: {  	s11 =	sadd.s32 $0xFFFFFED0, s17;
	[sflag:s15] =	ssyncadd.s32 $0xFFFFCC00  }
0x57: {  	[tilespmem:s23], [sflag:$0x3] =	stream.indirect.gather.add.f32 [hbm:s0], $0x80, s11, s18, $0xb8;
	[tilespmem:$0x1BF40] =	vst v63  }
0x58: {  	_ =	swait.ge [sflag:s24], $0x3000  }
0x59: {  	[sflag:s24] =	ssyncset.done $0x0;
	s10 =	rddreg [dreg:$0x8]  }
0x5a: {  	[sflag:s24] =	ssyncadd.s32 $0xFFFFD000;
	s9 =	sadd.s32 s8, s10  }
0x5b: {  	[hbm4b:s9+s3] =	stream.linear.scatter [tilespmem:s19], [sflag:$0xA], $0x3000, $0x38;
	[tilespmem:$0x1BF40] =	vst v63  }
0x5c: {  	s9 =	simm.s32 @!p1 $0xC  }
0x5d: {  	_ =	swait.ge @!p1 [sflag:s9], $0x3000  }
0x5e: {  	[sflag:s9] =	ssyncset.done @!p1 $0x0  }
0x5f: {  	[sflag:s9] =	ssyncadd.s32 @!p1 $0xFFFFD000  }
0x60: {  	[tilespmem:s25], [sflag:$0x11] =	stream.linear.gather [spmem:s6], $0x3000, $0x38;
	[tilespmem:$0x1BF40] =	vst v63  }
0x61: {  	_ =	swait.ge [sflag:s15], $0x3000  }
0x62: {  	[sflag:s15] =	ssyncset.done $0x0  }
0x63: {  	s11 =	sadd.s32 $0xFFFFFF38, s17;
	[sflag:s15] =	ssyncadd.s32 $0xFFFFD000  }
0x64: {  	[tilespmem:s25], [sflag:$0x4] =	stream.indirect.gather.add.f32 [hbm:s0], $0x80, s11, s20, $0xb8;
	[tilespmem:$0x1BF40] =	vst v63  }
0x65: {  	_ =	swait.ge [sflag:s26], $0x3400  }
0x66: {  	s10 =	rddreg [dreg:$0xb]  }
0x67: {  	[sflag:s26] =	ssyncset.done $0x0;
	s9 =	sadd.s32 s8, s10  }
0x68: {  	[sflag:s26] =	ssyncadd.s32 $0xFFFFCC00;
	s10 =	simm.s32 @!p1 $0xD;
	s11 =	sadd.s32 $0xC80, s9  }
0x69: {  	[hbm4b:s11+s3] =	stream.linear.scatter [tilespmem:s23], [sflag:$0xB], $0x3400, $0x38;
	[tilespmem:$0x1BF40] =	vst v63  }
0x6a: {  	_ =	swait.ge @!p1 [sflag:s10], $0x3400  }
0x6b: {  	[sflag:s10] =	ssyncset.done @!p1 $0x0  }
0x6c: {  	[sflag:s10] =	ssyncadd.s32 @!p1 $0xFFFFCC00  }
0x6d: {  	[tilespmem:s28], [sflag:$0x11] =	stream.linear.gather [spmem:s2], $0x3400, $0x38;
	[tilespmem:$0x1BF40] =	vst v63  }
0x6e: {  	_ =	swait.ge [sflag:s15], $0x3400  }
0x6f: {  	[sflag:s15] =	ssyncset.done $0x0  }
0x70: {  	s11 =	sadd.s32 $0xFFFFFF98, s17;
	[sflag:s15] =	ssyncadd.s32 $0xFFFFCC00  }
0x71: {  	[tilespmem:s28], [sflag:$0x5] =	stream.indirect.gather.add.f32 [hbm:s0], $0x80, s11, s18, $0xb8;
	[tilespmem:$0x1BF40] =	vst v63  }
0x72: {  	_ =	swait.ge [sflag:s29], $0x3000  }
0x73: {  	[sflag:s29] =	ssyncset.done $0x0  }
0x74: {  	s10 =	simm.s32 @!p1 $0xE;
	s11 =	sadd.s32 s8, s13;
	[sflag:s29] =	ssyncadd.s32 $0xFFFFD000  }
0x75: {  	[hbm4b:s11+s3] =	stream.linear.scatter [tilespmem:s25], [sflag:$0xC], $0x3000, $0x38;
	[tilespmem:$0x1BF40] =	vst v63  }
0x76: {  	_ =	swait.ge @!p1 [sflag:s10], $0x3000  }
0x77: {  	[sflag:s10] =	ssyncset.done @!p1 $0x0  }
0x78: {  	[sflag:s10] =	ssyncadd.s32 @!p1 $0xFFFFD000  }
0x79: {  	[tilespmem:s30], [sflag:$0x11] =	stream.linear.gather [spmem:s6], $0x3000, $0x38;
	[tilespmem:$0x1BF40] =	vst v63  }
0x7a: {  	_ =	swait.ge [sflag:s15], $0x3000  }
0x7b: {  	[sflag:s15] =	ssyncset.done $0x0  }
0x7c: {  	[sflag:s15] =	ssyncadd.s32 $0xFFFFD000  }
0x7d: {  	[tilespmem:s30], [sflag:$0x6] =	stream.indirect.gather.add.f32 [hbm:s0], $0x80, s17, s20, $0xb8;
	[tilespmem:$0x1BF40] =	vst v63  }
0x7e: {  	_ =	swait.ge [sflag:s31], $0x3400  }
0x7f: {  	[sflag:s31] =	ssyncset.done $0x0  }
0x80: {  	s11 =	sadd.s32 $0x1900, s9;
	s10 =	simm.s32 @!p1 $0xF;
	[sflag:s31] =	ssyncadd.s32 $0xFFFFCC00  }
0x81: {  	[hbm4b:s11+s3] =	stream.linear.scatter [tilespmem:s28], [sflag:$0xD], $0x3400, $0x38;
	[tilespmem:$0x1BF40] =	vst v63  }
0x82: {  	_ =	swait.ge @!p1 [sflag:s10], $0x3400  }
0x83: {  	[sflag:s10] =	ssyncset.done @!p1 $0x0  }
0x84: {  	[sflag:s10] =	ssyncadd.s32 @!p1 $0xFFFFCC00  }
0x85: {  	[tilespmem:s1], [sflag:$0x11] =	stream.linear.gather [spmem:s2], $0x3400, $0x38;
	[tilespmem:$0x1BF40] =	vst v63  }
0x86: {  	_ =	swait.ge [sflag:s15], $0x3400  }
0x87: {  	[sflag:s15] =	ssyncset.done $0x0  }
0x88: {  	s11 =	sadd.s32 $0x60, s17;
	[sflag:s15] =	ssyncadd.s32 $0xFFFFCC00  }
0x89: {  	[tilespmem:s1], [sflag:$0x7] =	stream.indirect.gather.add.f32 [hbm:s0], $0x80, s11, s18, $0xb8;
	[tilespmem:$0x1BF40] =	vst v63  }
0x8a: {  	_ =	swait.ge [sflag:s21], $0x3000  }
0x8b: {  	[sflag:s21] =	ssyncset.done $0x0  }
0x8c: {  	s10 =	simm.s32 @!p1 $0x10;
	s11 =	sadd.s32 s8, s12;
	[sflag:s21] =	ssyncadd.s32 $0xFFFFD000  }
0x8d: {  	[hbm4b:s11+s3] =	stream.linear.scatter [tilespmem:s30], [sflag:$0xE], $0x3000, $0x38;
	[tilespmem:$0x1BF40] =	vst v63  }
0x8e: {  	_ =	swait.ge @!p1 [sflag:s10], $0x3000  }
0x8f: {  	[sflag:s10] =	ssyncset.done @!p1 $0x0  }
0x90: {  	[sflag:s10] =	ssyncadd.s32 @!p1 $0xFFFFD000  }
0x91: {  	[tilespmem:s4], [sflag:$0x11] =	stream.linear.gather [spmem:s6], $0x3000, $0x38;
	[tilespmem:$0x1BF40] =	vst v63  }
0x92: {  	_ =	swait.ge [sflag:s15], $0x3000  }
0x93: {  	[sflag:s15] =	ssyncset.done $0x0  }
0x94: {  	s11 =	sadd.s32 $0xC8, s17;
	[sflag:s15] =	ssyncadd.s32 $0xFFFFD000  }
0x95: {  	[tilespmem:s4], [sflag:$0x8] =	stream.indirect.gather.add.f32 [hbm:s0], $0x80, s11, s20, $0xb8;
	[tilespmem:$0x1BF40] =	vst v63  }
0x96: {  	_ =	swait.ge [sflag:s5], $0x3400  }
0x97: {  	[sflag:s5] =	ssyncset.done $0x0  }
0x98: {  	s9 =	sadd.s32 $0x2580, s9;
	[sflag:s5] =	ssyncadd.s32 $0xFFFFCC00  }
0x99: {  	[hbm4b:s9+s3] =	stream.linear.scatter [tilespmem:s1], [sflag:$0xF], $0x3400, $0x38;
	[tilespmem:$0x1BF40] =	vst v63  }
0x9a: {  	_ =	swait.ge [sflag:s7], $0x3400  }
0x9b: {  	p1 =	seq.s32 s8, $0x15E00;
	[sflag:s7] =	ssyncset.done $0x0  }
0x9c: {  	s10 =	simm.s32 @!p1 $0x11;
	s9 =	simm.s32 @!p1 $0x1F40;
	[sflag:s7] =	ssyncadd.s32 $0xFFFFCC00  }
0x9d: {  	[tilespmem:s9], [sflag:$0x11] =	stream.linear.gather @!p1 [spmem:s2], $0x3400, $0x38;
	[tilespmem:$0x1BF40] =	vst v63  }
0x9e: {  	_ =	swait.ge @!p1 [sflag:s10], $0x3400  }
0x9f: {  	[sflag:s10] =	ssyncset.done @!p1 $0x0  }
0xa0: {  	s11 =	simm.s32 @!p1 $0x68;
	[sflag:s10] =	ssyncadd.s32 @!p1 $0xFFFFCC00;
	s10 =	sadd.s32 @!p1 $0x128, s17  }
0xa1: {  	[tilespmem:s9], [sflag:$0x1] =	stream.indirect.gather.add.f32 @!p1 [hbm:s0], $0x80, s10, s11, $0xb8;
	[tilespmem:$0x1BF40] =	vst v63  }
0xa2: {  	_ =	swait.ge [sflag:s14], $0x3000  }
0xa3: {  	[sflag:s14] =	ssyncset.done $0x0;
	s11 =	rddreg [dreg:$0xa]  }
.Ltmp2:
0xa4: {  	[sflag:s14] =	ssyncadd.s32 $0xFFFFD000;
	s9 =	sadd.s32 s8, s11;
	(pc) =	sbr.rel @p1 .LBB2_4-.Ltmp2, $4  }
0xa5: {  	[hbm4b:s9+s3] =	stream.linear.scatter [tilespmem:s4], [sflag:$0x10], $0x3000, $0x38;
	[tilespmem:$0x1BF40] =	vst v63  }
0xa6: {  	_ =	swait.ge [sflag:s16], $0x3000  }
0xa7: {  	[sflag:s16] =	ssyncset.done $0x0  }
0xa8: {  	[sflag:s16] =	ssyncadd.s32 $0xFFFFD000  }
0xa9: {  	[tilespmem:s19], [sflag:$0x11] =	stream.linear.gather [spmem:s6], $0x3000, $0x38;
	[tilespmem:$0x1BF40] =	vst v63  }
.Ltmp3:
0xaa: {  	_ = 	snop;
	(pc) =	sbr.rel .LBB2_2-.Ltmp3, $4  }
0xab: {  	_ =	swait.ge [sflag:s15], $0x3000  }
0xac: {  	s9 =	sadd.s32 $0x190, s17;
	[sflag:s15] =	ssyncset.done $0x0  }
0xad: {  	s8 =	sadd.s32 $0x3200, s8;
	s17 =	sadd.s32 $0x320, s17;
	[sflag:s15] =	ssyncadd.s32 $0xFFFFD000  }
0xae: {  	[tilespmem:s19], [sflag:$0x2] =	stream.indirect.gather.add.f32 [hbm:s0], $0x80, s9, s20, $0xb8;
	[tilespmem:$0x1BF40] =	vst v63  }
.LBB2_5:
0xaf: {  	_ =	sfence.sel $0x180000  }
0xb0: {  	[bflag:$0x0] =	sbarrier.arrive $0xFFFF  }
0xb1: {  	_ =	strace $0x90000047  }
0xb2: {  	[bflag:$0x2] =	sbarrier.arrive $0xFFFF  }
0xb3: {  	s0 =	rddreg [dreg:$0x4]  }
0xb4: {  	s0 =	sadd.s32 @!p0 $0x100000, s0  }
0xb5: {  	[sflag:s0] =	ssyncadd.tile.s32 @!p0 $0x1;
	_ =	shalt  }
.Lfunc_end2:
_tile_overlayer_lowered:
.L_overlay_start_2:
0xb6: {  	(tag) =	ssettag $0x2  }
0xb7: {  	s0 =	rddreg [dreg:$0x0];
	s2 =	stileid.u32  }
0xb8: {  	s1 =	rddreg [dreg:$0x1];
	p0 =	sne.s32 s2, $0x0  }
0xb9: {  	s3 =	rddreg [dreg:$0x2];
	[bflag:$0x3] =	sbarrier.arrive $0xFFFF;
	s2 =	simm.s32 @!p0 $0x1C11  }
0xba: {  	[timem:s3], [sflag:s2] =	dma.local @!p0 [hbm:s0], s1  }
0xbb: {  	s0 =	simm.s32 @!p0 $0x11  }
0xbc: {  	_ =	swait.ge @!p0 [sflag:s0], s1  }
0xbd: {  	s1 =	ssub.s32 @!p0 $0x0, s1;
	[sflag:s0] =	ssyncset.done @!p0 $0x0  }
0xbe: {  	[sflag:s0] =	ssyncadd.s32 @!p0 s1  }
0xbf: {  	[bflag:$0x3] =	sbarrier.arrive $0xFFFF  }
0xc0: {  	_ =	shalt  }

</sc_bundles>
